<compile_context>
chip_gen: v7x
topology: tpu7x:2x2x1
jax: 0.10.2.dev20260603
libtpu: 0.0.44.dev20260713+nightly
codegen_flags: <defaults>
</compile_context>

<pallas_src>
import functools

import jax
import jax.numpy as jnp
from jax import lax
from jax.experimental import pallas as pl
from jax.experimental.pallas import tpu as pltpu
from jax.experimental.pallas import tpu_sc as plsc

NBUF = 5
GLEAD = 3


def kernel(x, token_emb, pos_emb):
    B, L = x.shape
    V, D = token_emb.shape
    info = plsc.get_sparse_core_info()
    NC, NS = info.num_cores, info.num_subcores
    NW = NC * NS
    BT = B // NW

    mesh = plsc.VectorSubcoreMesh(core_axis_name="c", subcore_axis_name="s")

    @functools.partial(
        pl.kernel,
        mesh=mesh,
        out_type=jax.ShapeDtypeStruct((L, D // 8, B // 128, 8, 128),
                                      jnp.float32),
        compiler_params=pltpu.CompilerParams(use_tc_tiling_on_sc=False,
                                             needs_layout_passes=False),
        scratch_types=[
            pltpu.VMEM((BT, L), jnp.int32),
            pltpu.VMEM((L, BT), jnp.int32),
            pltpu.VMEM((L, D), jnp.float32),
            pltpu.VMEM((NBUF, BT, D), jnp.float32),
            pltpu.VMEM((NBUF, D, 128), jnp.float32),
            pltpu.SemaphoreType.DMA((NBUF,)),
            pltpu.SemaphoreType.DMA((NBUF,)),
        ],
    )
    def run(x_hbm, tok_hbm, pos_hbm, out_hbm, xstage, idxT, posf,
            rows, tout, gsem, ssem):
        sid = lax.axis_index("s")
        wid = sid * NC + lax.axis_index("c")
        pltpu.sync_copy(x_hbm.at[pl.ds(wid * BT, BT)], xstage)
        pltpu.sync_copy(pos_hbm, posf)

        iota = lax.iota(jnp.int32, 16)
        bidx = [bb * 16 + iota for bb in range(8)]

        @plsc.parallel_loop(0, L, unroll=4)
        def _(l):
            lcol = jnp.zeros((16,), jnp.int32) + l
            for bb in range(8):
                idxT[l, pl.ds(bb * 16, 16)] = plsc.load_gather(
                    xstage, [bidx[bb], lcol])

        def g_issue(l, b):
            pltpu.async_copy(tok_hbm.at[idxT.at[l]], rows.at[b], gsem.at[b])

        def g_wait(b):
            pltpu.make_async_copy(tok_hbm.at[pl.ds(0, BT)], rows.at[b],
                                  gsem.at[b]).wait()

        def s_wait(b):
            pltpu.make_async_copy(tok_hbm.at[pl.ds(0, BT)], rows.at[b],
                                  ssem.at[b]).wait()

        def compute(l, b):
            lcol = jnp.zeros((16,), jnp.int32) + l

            @plsc.parallel_loop(0, D, unroll=8)
            def _(d):
                dcol = jnp.zeros((16,), jnp.int32) + d
                pv = plsc.load_gather(posf, [lcol, dcol])
                for bb in range(8):
                    tout[b, d, pl.ds(bb * 16, 16)] = (
                        plsc.load_gather(rows.at[b], [bidx[bb], dcol]) + pv)

        def s_issue(l, b):
            for tr in range(D // 8):
                pltpu.async_copy(tout.at[b, pl.ds(tr * 8, 8)],
                                 out_hbm.at[l, tr, wid], ssem.at[b])

        for l0 in range(GLEAD):
            g_issue(l0, l0)

        def outer(s0, carry):
            for j in range(NBUF):
                l = s0 * NBUF + j
                lG = l + GLEAD
                bG = (j + GLEAD) % NBUF

                g_wait(j)

                @pl.when(l >= NBUF)
                def _():
                    s_wait(j)

                s_issue(l, j)

                @pl.when(lG < L)
                def _():
                    g_issue(lG, bG)
            return carry

        lax.fori_loop(0, L // NBUF, outer, 0)
        for j in range(NBUF):
            s_wait(j)

    out5 = run(x, token_emb, pos_emb)
    return out5.transpose(2, 4, 0, 1, 3).reshape(B, L, D)

# --- scband reference (transcript-rebuilt; emitter-appended) ---
"""Pipeline reference for scband-token-and-position-embedding-37228776522014 (READ-ONLY COPY).

The authoritative reference and input builder live on the scoring server;
editing this copy changes nothing except your own understanding.
"""

import jax, jax.numpy as jnp
import numpy as np

VOCAB = 100000
MAXLEN = 200
EMBED_DIM = 32
BATCH = 4096

def setup_inputs(seed: int = 0) -> dict:
    key = jax.random.key(seed)
    k1, k2, k3 = jax.random.split(key, 3)
    x = jax.random.randint(k1, (BATCH, MAXLEN), 0, VOCAB, dtype=jnp.int64 if jax.config.jax_enable_x64 else jnp.int32).astype(jnp.int32)
    token_emb = jax.random.normal(k2, (VOCAB, EMBED_DIM), dtype=jnp.float32) * 0.02
    pos_emb = jax.random.normal(k3, (MAXLEN, EMBED_DIM), dtype=jnp.float32) * 0.02
    return {"x": x, "token_emb": token_emb, "pos_emb": pos_emb}

def reference(x, token_emb, pos_emb):
    # TokenAndPositionEmbedding.call:
    #   positions = range(seq_len); pos_emb(positions); token_emb(x); sum
    seq_len = x.shape[-1]
    positions = jnp.arange(seq_len)
    pos = jnp.take(pos_emb, positions, axis=0)          # [L, D]
    tok = jnp.take(token_emb, x, axis=0)                # [B, L, D]
    return tok + pos[None, :, :]

if __name__ == "__main__":
    import jax
    _d = setup_inputs()
    print(jax.jit(kernel)(*tuple(_d.values())))

</pallas_src>

<mosaic_0001>
#map = affine_map<(d0, d1) -> (0, 0)>
#map1 = affine_map<(d0, d1) -> (0, 0, 0, 0, 0)>
module attributes {stable_mosaic.version = 14 : i64} {
  func.func @run(%arg0: i32, %arg1: i32, %arg2: memref<4096x200xi32, #tpu.memory_space<hbm>>, %arg3: memref<100000x32xf32, #tpu.memory_space<hbm>>, %arg4: memref<200x32xf32, #tpu.memory_space<hbm>>, %arg5: memref<200x4x32x8x128xf32, #tpu.memory_space<hbm>>, %arg6: memref<128x200xi32, #tpu.memory_space<vmem>>, %arg7: memref<200x128xi32, #tpu.memory_space<vmem>>, %arg8: memref<200x32xf32, #tpu.memory_space<vmem>>, %arg9: memref<5x128x32xf32, #tpu.memory_space<vmem>>, %arg10: memref<5x32x128xf32, #tpu.memory_space<vmem>>, %arg11: memref<5x!tpu.dma_semaphore, #tpu.memory_space<semaphore_mem>>, %arg12: memref<5x!tpu.dma_semaphore, #tpu.memory_space<semaphore_mem>>) attributes {dimension_semantics = [#tpu.dimension_semantics<core_parallel>, #tpu.dimension_semantics<subcore_parallel>], iteration_bounds = array<i64: 2, 16>, scalar_prefetch = 0 : i64, scratch_operands = 7 : i64, tpu.core_type = #tpu.core_type<sc_vector_subcore>, window_params = [{transform_indices = #map}, {transform_indices = #map}, {transform_indices = #map}, {transform_indices = #map1}]} {
    %mul3A = arith.constant 2 : i32
    %mul3A_0 = arith.muli %arg1, %mul3A : i32
    %add3A = arith.addi %mul3A_0, %arg0 : i32
    %mul3A_1 = arith.constant 128 : i32
    %mul3A_2 = arith.muli %add3A, %mul3A_1 : i32
    "tpu.region"() ({
      %run_scoped3A = tpu.sem_alloc : memref<!tpu.dma_semaphore, #tpu.memory_space<semaphore_mem>>
      %dma_start3A_167 = arith.constant 0 : i32
      %dma_start3A_168 = tpu.memref_slice %arg2[%mul3A_2, %dma_start3A_167] : memref<4096x200xi32, #tpu.memory_space<hbm>> -> memref<128x200xi32, #tpu.memory_space<hbm>>
      %dma_start3A_169 = arith.constant 0 : i32
      %dma_start3A_170 = tpu.memref_slice %arg2[%mul3A_2, %dma_start3A_169] : memref<4096x200xi32, #tpu.memory_space<hbm>> -> memref<128x200xi32, #tpu.memory_space<hbm>>
      tpu.enqueue_dma source(%dma_start3A_170 : memref<128x200xi32, #tpu.memory_space<hbm>>) target(%arg6 : memref<128x200xi32, #tpu.memory_space<vmem>>) target_semaphore(%run_scoped3A : memref<!tpu.dma_semaphore, #tpu.memory_space<semaphore_mem>>)
      %dma_wait3A_171 = arith.constant 0 : i32
      %dma_wait3A_172 = tpu.memref_slice %arg2[%mul3A_2, %dma_wait3A_171] : memref<4096x200xi32, #tpu.memory_space<hbm>> -> memref<128x200xi32, #tpu.memory_space<hbm>>
      %dma_wait3A_173 = arith.constant 0 : i32
      %dma_wait3A_174 = tpu.memref_slice %arg2[%mul3A_2, %dma_wait3A_173] : memref<4096x200xi32, #tpu.memory_space<hbm>> -> memref<128x200xi32, #tpu.memory_space<hbm>>
      tpu.wait_dma2 semaphore(%run_scoped3A : memref<!tpu.dma_semaphore, #tpu.memory_space<semaphore_mem>>) src(%dma_wait3A_174 : memref<128x200xi32, #tpu.memory_space<hbm>>) dst(%arg6 : memref<128x200xi32, #tpu.memory_space<vmem>>)
      tpu.yield
    }) : () -> ()
    "tpu.region"() ({
      %run_scoped3A = tpu.sem_alloc : memref<!tpu.dma_semaphore, #tpu.memory_space<semaphore_mem>>
      tpu.enqueue_dma source(%arg4 : memref<200x32xf32, #tpu.memory_space<hbm>>) target(%arg8 : memref<200x32xf32, #tpu.memory_space<vmem>>) target_semaphore(%run_scoped3A : memref<!tpu.dma_semaphore, #tpu.memory_space<semaphore_mem>>)
      tpu.wait_dma2 semaphore(%run_scoped3A : memref<!tpu.dma_semaphore, #tpu.memory_space<semaphore_mem>>) src(%arg4 : memref<200x32xf32, #tpu.memory_space<hbm>>) dst(%arg8 : memref<200x32xf32, #tpu.memory_space<vmem>>)
      tpu.yield
    }) : () -> ()
    %iota3A = tpu.iota {dimensions = array<i32: 0>} : vector<16xi32>
    %add3A_3 = arith.constant 0 : i32
    %add3A_4 = vector.broadcast %add3A_3 : i32 to vector<16xi32>
    %add3A_5 = arith.addi %add3A_4, %iota3A : vector<16xi32>
    %add3A_6 = arith.constant 16 : i32
    %add3A_7 = vector.broadcast %add3A_6 : i32 to vector<16xi32>
    %add3A_8 = arith.addi %add3A_7, %iota3A : vector<16xi32>
    %add3A_9 = arith.constant 32 : i32
    %add3A_10 = vector.broadcast %add3A_9 : i32 to vector<16xi32>
    %add3A_11 = arith.addi %add3A_10, %iota3A : vector<16xi32>
    %add3A_12 = arith.constant 48 : i32
    %add3A_13 = vector.broadcast %add3A_12 : i32 to vector<16xi32>
    %add3A_14 = arith.addi %add3A_13, %iota3A : vector<16xi32>
    %add3A_15 = arith.constant 64 : i32
    %add3A_16 = vector.broadcast %add3A_15 : i32 to vector<16xi32>
    %add3A_17 = arith.addi %add3A_16, %iota3A : vector<16xi32>
    %add3A_18 = arith.constant 80 : i32
    %add3A_19 = vector.broadcast %add3A_18 : i32 to vector<16xi32>
    %add3A_20 = arith.addi %add3A_19, %iota3A : vector<16xi32>
    %add3A_21 = arith.constant 96 : i32
    %add3A_22 = vector.broadcast %add3A_21 : i32 to vector<16xi32>
    %add3A_23 = arith.addi %add3A_22, %iota3A : vector<16xi32>
    %add3A_24 = arith.constant 112 : i32
    %add3A_25 = vector.broadcast %add3A_24 : i32 to vector<16xi32>
    %add3A_26 = arith.addi %add3A_25, %iota3A : vector<16xi32>
    %parallel_loop3A = arith.constant 0 : i32
    %parallel_loop3A_27 = arith.constant 200 : i32
    %parallel_loop3A_28 = arith.constant 1 : i32
    scf.for %parallel_loop3A_167 = %parallel_loop3A to %parallel_loop3A_27 step %parallel_loop3A_28  : i32 {
      %parallel_loop3A_168 = arith.constant 0 : i32
      %parallel_loop3A_169 = vector.broadcast %parallel_loop3A_168 : i32 to vector<16xi32>
      %parallel_loop3A_170 = vector.broadcast %parallel_loop3A_167 : i32 to vector<16xi32>
      %parallel_loop3A_171 = arith.addi %parallel_loop3A_169, %parallel_loop3A_170 : vector<16xi32>
      %parallel_loop3A_172 = tpu.vector_load_idx %arg6[%add3A_5, %parallel_loop3A_171] : memref<128x200xi32, #tpu.memory_space<vmem>>[vector<16xi32>, vector<16xi32>], vector<16xi32>,
      %parallel_loop3A_173 = arith.index_cast %parallel_loop3A_167 : i32 to index
      %parallel_loop3A_174 = arith.constant 0 : index
      %parallel_loop3A_175 = tpu.vector_load %arg7[%parallel_loop3A_173, %parallel_loop3A_174] {strides = array<i32>} : memref<200x128xi32, #tpu.memory_space<vmem>>, vector<16xi32>,
      tpu.vector_store %arg7[%parallel_loop3A_173, %parallel_loop3A_174], %parallel_loop3A_172 {strides = array<i32>} : memref<200x128xi32, #tpu.memory_space<vmem>>, vector<16xi32>,
      %parallel_loop3A_176 = tpu.vector_load_idx %arg6[%add3A_8, %parallel_loop3A_171] : memref<128x200xi32, #tpu.memory_space<vmem>>[vector<16xi32>, vector<16xi32>], vector<16xi32>,
      %parallel_loop3A_177 = arith.index_cast %parallel_loop3A_167 : i32 to index
      %parallel_loop3A_178 = arith.constant 16 : index
      %parallel_loop3A_179 = tpu.vector_load %arg7[%parallel_loop3A_177, %parallel_loop3A_178] {strides = array<i32>} : memref<200x128xi32, #tpu.memory_space<vmem>>, vector<16xi32>,
      tpu.vector_store %arg7[%parallel_loop3A_177, %parallel_loop3A_178], %parallel_loop3A_176 {strides = array<i32>} : memref<200x128xi32, #tpu.memory_space<vmem>>, vector<16xi32>,
      %parallel_loop3A_180 = tpu.vector_load_idx %arg6[%add3A_11, %parallel_loop3A_171] : memref<128x200xi32, #tpu.memory_space<vmem>>[vector<16xi32>, vector<16xi32>], vector<16xi32>,
      %parallel_loop3A_181 = arith.index_cast %parallel_loop3A_167 : i32 to index
      %parallel_loop3A_182 = arith.constant 32 : index
      %parallel_loop3A_183 = tpu.vector_load %arg7[%parallel_loop3A_181, %parallel_loop3A_182] {strides = array<i32>} : memref<200x128xi32, #tpu.memory_space<vmem>>, vector<16xi32>,
      tpu.vector_store %arg7[%parallel_loop3A_181, %parallel_loop3A_182], %parallel_loop3A_180 {strides = array<i32>} : memref<200x128xi32, #tpu.memory_space<vmem>>, vector<16xi32>,
      %parallel_loop3A_184 = tpu.vector_load_idx %arg6[%add3A_14, %parallel_loop3A_171] : memref<128x200xi32, #tpu.memory_space<vmem>>[vector<16xi32>, vector<16xi32>], vector<16xi32>,
      %parallel_loop3A_185 = arith.index_cast %parallel_loop3A_167 : i32 to index
      %parallel_loop3A_186 = arith.constant 48 : index
      %parallel_loop3A_187 = tpu.vector_load %arg7[%parallel_loop3A_185, %parallel_loop3A_186] {strides = array<i32>} : memref<200x128xi32, #tpu.memory_space<vmem>>, vector<16xi32>,
      tpu.vector_store %arg7[%parallel_loop3A_185, %parallel_loop3A_186], %parallel_loop3A_184 {strides = array<i32>} : memref<200x128xi32, #tpu.memory_space<vmem>>, vector<16xi32>,
      %parallel_loop3A_188 = tpu.vector_load_idx %arg6[%add3A_17, %parallel_loop3A_171] : memref<128x200xi32, #tpu.memory_space<vmem>>[vector<16xi32>, vector<16xi32>], vector<16xi32>,
      %parallel_loop3A_189 = arith.index_cast %parallel_loop3A_167 : i32 to index
      %parallel_loop3A_190 = arith.constant 64 : index
      %parallel_loop3A_191 = tpu.vector_load %arg7[%parallel_loop3A_189, %parallel_loop3A_190] {strides = array<i32>} : memref<200x128xi32, #tpu.memory_space<vmem>>, vector<16xi32>,
      tpu.vector_store %arg7[%parallel_loop3A_189, %parallel_loop3A_190], %parallel_loop3A_188 {strides = array<i32>} : memref<200x128xi32, #tpu.memory_space<vmem>>, vector<16xi32>,
      %parallel_loop3A_192 = tpu.vector_load_idx %arg6[%add3A_20, %parallel_loop3A_171] : memref<128x200xi32, #tpu.memory_space<vmem>>[vector<16xi32>, vector<16xi32>], vector<16xi32>,
      %parallel_loop3A_193 = arith.index_cast %parallel_loop3A_167 : i32 to index
      %parallel_loop3A_194 = arith.constant 80 : index
      %parallel_loop3A_195 = tpu.vector_load %arg7[%parallel_loop3A_193, %parallel_loop3A_194] {strides = array<i32>} : memref<200x128xi32, #tpu.memory_space<vmem>>, vector<16xi32>,
      tpu.vector_store %arg7[%parallel_loop3A_193, %parallel_loop3A_194], %parallel_loop3A_192 {strides = array<i32>} : memref<200x128xi32, #tpu.memory_space<vmem>>, vector<16xi32>,
      %parallel_loop3A_196 = tpu.vector_load_idx %arg6[%add3A_23, %parallel_loop3A_171] : memref<128x200xi32, #tpu.memory_space<vmem>>[vector<16xi32>, vector<16xi32>], vector<16xi32>,
      %parallel_loop3A_197 = arith.index_cast %parallel_loop3A_167 : i32 to index
      %parallel_loop3A_198 = arith.constant 96 : index
      %parallel_loop3A_199 = tpu.vector_load %arg7[%parallel_loop3A_197, %parallel_loop3A_198] {strides = array<i32>} : memref<200x128xi32, #tpu.memory_space<vmem>>, vector<16xi32>,
      tpu.vector_store %arg7[%parallel_loop3A_197, %parallel_loop3A_198], %parallel_loop3A_196 {strides = array<i32>} : memref<200x128xi32, #tpu.memory_space<vmem>>, vector<16xi32>,
      %parallel_loop3A_200 = tpu.vector_load_idx %arg6[%add3A_26, %parallel_loop3A_171] : memref<128x200xi32, #tpu.memory_space<vmem>>[vector<16xi32>, vector<16xi32>], vector<16xi32>,
      %parallel_loop3A_201 = arith.index_cast %parallel_loop3A_167 : i32 to index
      %parallel_loop3A_202 = arith.constant 112 : index
      %parallel_loop3A_203 = tpu.vector_load %arg7[%parallel_loop3A_201, %parallel_loop3A_202] {strides = array<i32>} : memref<200x128xi32, #tpu.memory_space<vmem>>, vector<16xi32>,
      tpu.vector_store %arg7[%parallel_loop3A_201, %parallel_loop3A_202], %parallel_loop3A_200 {strides = array<i32>} : memref<200x128xi32, #tpu.memory_space<vmem>>, vector<16xi32>,
    } {sc.loop_unroll_factor = 4 : i64, sc.parallel_access}
    %dma_start3A = arith.constant 0 : i32
    %dma_start3A_29 = arith.constant 0 : i32
    %dma_start3A_30 = arith.constant 0 : i32
    %dma_start3A_31 = arith.constant 0 : i32
    %dma_start3A_32 = arith.constant 0 : i32
    %dma_start3A_33 = tpu.memref_slice %arg9[%dma_start3A_29, %dma_start3A_31, %dma_start3A_32] : memref<5x128x32xf32, #tpu.memory_space<vmem>> -> memref<1x128x32xf32, #tpu.memory_space<vmem>>
    %dma_start3A_34 = tpu.memref_squeeze %dma_start3A_33 : memref<1x128x32xf32, #tpu.memory_space<vmem>> -> memref<128x32xf32, #tpu.memory_space<vmem>>
    %dma_start3A_35 = arith.constant 0 : i32
    %dma_start3A_36 = tpu.memref_slice %arg7[%dma_start3A, %dma_start3A_35] : memref<200x128xi32, #tpu.memory_space<vmem>> -> memref<1x128xi32, #tpu.memory_space<vmem>>
    %dma_start3A_37 = tpu.memref_squeeze %dma_start3A_36 : memref<1x128xi32, #tpu.memory_space<vmem>> -> memref<128xi32, #tpu.memory_space<vmem>>
    %dma_start3A_38 = arith.constant 0 : i32
    %dma_start3A_39 = arith.constant 0 : i32
    %dma_start3A_40 = tpu.memref_slice %arg3[%dma_start3A_38, %dma_start3A_39] : memref<100000x32xf32, #tpu.memory_space<hbm>> -> memref<100000x32xf32, #tpu.memory_space<hbm>>
    %dma_start3A_41 = tpu.memref_slice %arg11[%dma_start3A_30] : memref<5x!tpu.dma_semaphore, #tpu.memory_space<semaphore_mem>> -> memref<1x!tpu.dma_semaphore, #tpu.memory_space<semaphore_mem>>
    %dma_start3A_42 = tpu.memref_squeeze %dma_start3A_41 : memref<1x!tpu.dma_semaphore, #tpu.memory_space<semaphore_mem>> -> memref<!tpu.dma_semaphore, #tpu.memory_space<semaphore_mem>>
    tpu.enqueue_indirect_dma source(%dma_start3A_40 : memref<100000x32xf32, #tpu.memory_space<hbm>>) target(%dma_start3A_34 : memref<128x32xf32, #tpu.memory_space<vmem>>) offsets(%dma_start3A_37 : memref<128xi32, #tpu.memory_space<vmem>>) semaphore(%dma_start3A_42 : memref<!tpu.dma_semaphore, #tpu.memory_space<semaphore_mem>>)
    %dma_start3A_43 = arith.constant 1 : i32
    %dma_start3A_44 = arith.constant 1 : i32
    %dma_start3A_45 = arith.constant 1 : i32
    %dma_start3A_46 = arith.constant 0 : i32
    %dma_start3A_47 = arith.constant 0 : i32
    %dma_start3A_48 = tpu.memref_slice %arg9[%dma_start3A_44, %dma_start3A_46, %dma_start3A_47] : memref<5x128x32xf32, #tpu.memory_space<vmem>> -> memref<1x128x32xf32, #tpu.memory_space<vmem>>
    %dma_start3A_49 = tpu.memref_squeeze %dma_start3A_48 : memref<1x128x32xf32, #tpu.memory_space<vmem>> -> memref<128x32xf32, #tpu.memory_space<vmem>>
    %dma_start3A_50 = arith.constant 0 : i32
    %dma_start3A_51 = tpu.memref_slice %arg7[%dma_start3A_43, %dma_start3A_50] : memref<200x128xi32, #tpu.memory_space<vmem>> -> memref<1x128xi32, #tpu.memory_space<vmem>>
    %dma_start3A_52 = tpu.memref_squeeze %dma_start3A_51 : memref<1x128xi32, #tpu.memory_space<vmem>> -> memref<128xi32, #tpu.memory_space<vmem>>
    %dma_start3A_53 = arith.constant 0 : i32
    %dma_start3A_54 = arith.constant 0 : i32
    %dma_start3A_55 = tpu.memref_slice %arg3[%dma_start3A_53, %dma_start3A_54] : memref<100000x32xf32, #tpu.memory_space<hbm>> -> memref<100000x32xf32, #tpu.memory_space<hbm>>
    %dma_start3A_56 = tpu.memref_slice %arg11[%dma_start3A_45] : memref<5x!tpu.dma_semaphore, #tpu.memory_space<semaphore_mem>> -> memref<1x!tpu.dma_semaphore, #tpu.memory_space<semaphore_mem>>
    %dma_start3A_57 = tpu.memref_squeeze %dma_start3A_56 : memref<1x!tpu.dma_semaphore, #tpu.memory_space<semaphore_mem>> -> memref<!tpu.dma_semaphore, #tpu.memory_space<semaphore_mem>>
    tpu.enqueue_indirect_dma source(%dma_start3A_55 : memref<100000x32xf32, #tpu.memory_space<hbm>>) target(%dma_start3A_49 : memref<128x32xf32, #tpu.memory_space<vmem>>) offsets(%dma_start3A_52 : memref<128xi32, #tpu.memory_space<vmem>>) semaphore(%dma_start3A_57 : memref<!tpu.dma_semaphore, #tpu.memory_space<semaphore_mem>>)
    %dma_start3A_58 = arith.constant 2 : i32
    %dma_start3A_59 = arith.constant 2 : i32
    %dma_start3A_60 = arith.constant 2 : i32
    %dma_start3A_61 = arith.constant 0 : i32
    %dma_start3A_62 = arith.constant 0 : i32
    %dma_start3A_63 = tpu.memref_slice %arg9[%dma_start3A_59, %dma_start3A_61, %dma_start3A_62] : memref<5x128x32xf32, #tpu.memory_space<vmem>> -> memref<1x128x32xf32, #tpu.memory_space<vmem>>
    %dma_start3A_64 = tpu.memref_squeeze %dma_start3A_63 : memref<1x128x32xf32, #tpu.memory_space<vmem>> -> memref<128x32xf32, #tpu.memory_space<vmem>>
    %dma_start3A_65 = arith.constant 0 : i32
    %dma_start3A_66 = tpu.memref_slice %arg7[%dma_start3A_58, %dma_start3A_65] : memref<200x128xi32, #tpu.memory_space<vmem>> -> memref<1x128xi32, #tpu.memory_space<vmem>>
    %dma_start3A_67 = tpu.memref_squeeze %dma_start3A_66 : memref<1x128xi32, #tpu.memory_space<vmem>> -> memref<128xi32, #tpu.memory_space<vmem>>
    %dma_start3A_68 = arith.constant 0 : i32
    %dma_start3A_69 = arith.constant 0 : i32
    %dma_start3A_70 = tpu.memref_slice %arg3[%dma_start3A_68, %dma_start3A_69] : memref<100000x32xf32, #tpu.memory_space<hbm>> -> memref<100000x32xf32, #tpu.memory_space<hbm>>
    %dma_start3A_71 = tpu.memref_slice %arg11[%dma_start3A_60] : memref<5x!tpu.dma_semaphore, #tpu.memory_space<semaphore_mem>> -> memref<1x!tpu.dma_semaphore, #tpu.memory_space<semaphore_mem>>
    %dma_start3A_72 = tpu.memref_squeeze %dma_start3A_71 : memref<1x!tpu.dma_semaphore, #tpu.memory_space<semaphore_mem>> -> memref<!tpu.dma_semaphore, #tpu.memory_space<semaphore_mem>>
    tpu.enqueue_indirect_dma source(%dma_start3A_70 : memref<100000x32xf32, #tpu.memory_space<hbm>>) target(%dma_start3A_64 : memref<128x32xf32, #tpu.memory_space<vmem>>) offsets(%dma_start3A_67 : memref<128xi32, #tpu.memory_space<vmem>>) semaphore(%dma_start3A_72 : memref<!tpu.dma_semaphore, #tpu.memory_space<semaphore_mem>>)
    %scan3A = arith.constant 0 : i32
    %scan3A_73 = arith.constant 0 : i32
    %scan3A_74 = arith.constant 40 : i32
    %scan3A_75 = arith.addi %scan3A_73, %scan3A_74 : i32
    %scan3A_76 = arith.constant 1 : i32
    scf.for %scan3A_167 = %scan3A_73 to %scan3A_75 step %scan3A_76  : i32 {
      %mul3A_168 = arith.constant 5 : i32
      %mul3A_169 = arith.muli %scan3A_167, %mul3A_168 : i32
      %add3A_170 = arith.constant 0 : i32
      %add3A_171 = arith.addi %mul3A_169, %add3A_170 : i32
      %add3A_172 = arith.constant 3 : i32
      %add3A_173 = arith.addi %add3A_171, %add3A_172 : i32
      %dma_wait3A_174 = arith.constant 0 : i32
      %dma_wait3A_175 = arith.constant 0 : i32
      %dma_wait3A_176 = arith.constant 0 : i32
      %dma_wait3A_177 = arith.constant 0 : i32
      %dma_wait3A_178 = tpu.memref_slice %arg9[%dma_wait3A_174, %dma_wait3A_176, %dma_wait3A_177] : memref<5x128x32xf32, #tpu.memory_space<vmem>> -> memref<1x128x32xf32, #tpu.memory_space<vmem>>
      %dma_wait3A_179 = tpu.memref_squeeze %dma_wait3A_178 : memref<1x128x32xf32, #tpu.memory_space<vmem>> -> memref<128x32xf32, #tpu.memory_space<vmem>>
      %dma_wait3A_180 = arith.constant 0 : i32
      %dma_wait3A_181 = arith.constant 0 : i32
      %dma_wait3A_182 = tpu.memref_slice %arg3[%dma_wait3A_180, %dma_wait3A_181] : memref<100000x32xf32, #tpu.memory_space<hbm>> -> memref<128x32xf32, #tpu.memory_space<hbm>>
      %dma_wait3A_183 = tpu.memref_slice %arg11[%dma_wait3A_175] : memref<5x!tpu.dma_semaphore, #tpu.memory_space<semaphore_mem>> -> memref<1x!tpu.dma_semaphore, #tpu.memory_space<semaphore_mem>>
      %dma_wait3A_184 = tpu.memref_squeeze %dma_wait3A_183 : memref<1x!tpu.dma_semaphore, #tpu.memory_space<semaphore_mem>> -> memref<!tpu.dma_semaphore, #tpu.memory_space<semaphore_mem>>
      %dma_wait3A_185 = arith.constant 0 : i32
      %dma_wait3A_186 = arith.constant 0 : i32
      %dma_wait3A_187 = tpu.memref_slice %arg9[%dma_wait3A_174, %dma_wait3A_185, %dma_wait3A_186] : memref<5x128x32xf32, #tpu.memory_space<vmem>> -> memref<1x128x32xf32, #tpu.memory_space<vmem>>
      %dma_wait3A_188 = tpu.memref_squeeze %dma_wait3A_187 : memref<1x128x32xf32, #tpu.memory_space<vmem>> -> memref<128x32xf32, #tpu.memory_space<vmem>>
      %dma_wait3A_189 = arith.constant 0 : i32
      %dma_wait3A_190 = arith.constant 0 : i32
      %dma_wait3A_191 = tpu.memref_slice %arg3[%dma_wait3A_189, %dma_wait3A_190] : memref<100000x32xf32, #tpu.memory_space<hbm>> -> memref<128x32xf32, #tpu.memory_space<hbm>>
      tpu.wait_dma2 semaphore(%dma_wait3A_184 : memref<!tpu.dma_semaphore, #tpu.memory_space<semaphore_mem>>) src(%dma_wait3A_191 : memref<128x32xf32, #tpu.memory_space<hbm>>) dst(%dma_wait3A_188 : memref<128x32xf32, #tpu.memory_space<vmem>>)
      %ge3A = arith.constant 5 : i32
      %ge3A_192 = arith.cmpi sge, %add3A_171, %ge3A : i32
      %convert_element_type3A = arith.extui %ge3A_192 : i1 to i32
      %cond3A = arith.constant 0 : i32
      %cond3A_193 = arith.cmpi ne, %convert_element_type3A, %cond3A : i32
      scf.if %cond3A_193 {
        %dma_wait3A_754 = arith.constant 0 : i32
        %dma_wait3A_755 = arith.constant 0 : i32
        %dma_wait3A_756 = arith.constant 0 : i32
        %dma_wait3A_757 = arith.constant 0 : i32
        %dma_wait3A_758 = tpu.memref_slice %arg9[%dma_wait3A_754, %dma_wait3A_756, %dma_wait3A_757] : memref<5x128x32xf32, #tpu.memory_space<vmem>> -> memref<1x128x32xf32, #tpu.memory_space<vmem>>
        %dma_wait3A_759 = tpu.memref_squeeze %dma_wait3A_758 : memref<1x128x32xf32, #tpu.memory_space<vmem>> -> memref<128x32xf32, #tpu.memory_space<vmem>>
        %dma_wait3A_760 = arith.constant 0 : i32
        %dma_wait3A_761 = arith.constant 0 : i32
        %dma_wait3A_762 = tpu.memref_slice %arg3[%dma_wait3A_760, %dma_wait3A_761] : memref<100000x32xf32, #tpu.memory_space<hbm>> -> memref<128x32xf32, #tpu.memory_space<hbm>>
        %dma_wait3A_763 = tpu.memref_slice %arg12[%dma_wait3A_755] : memref<5x!tpu.dma_semaphore, #tpu.memory_space<semaphore_mem>> -> memref<1x!tpu.dma_semaphore, #tpu.memory_space<semaphore_mem>>
        %dma_wait3A_764 = tpu.memref_squeeze %dma_wait3A_763 : memref<1x!tpu.dma_semaphore, #tpu.memory_space<semaphore_mem>> -> memref<!tpu.dma_semaphore, #tpu.memory_space<semaphore_mem>>
        %dma_wait3A_765 = arith.constant 0 : i32
        %dma_wait3A_766 = arith.constant 0 : i32
        %dma_wait3A_767 = tpu.memref_slice %arg9[%dma_wait3A_754, %dma_wait3A_765, %dma_wait3A_766] : memref<5x128x32xf32, #tpu.memory_space<vmem>> -> memref<1x128x32xf32, #tpu.memory_space<vmem>>
        %dma_wait3A_768 = tpu.memref_squeeze %dma_wait3A_767 : memref<1x128x32xf32, #tpu.memory_space<vmem>> -> memref<128x32xf32, #tpu.memory_space<vmem>>
        %dma_wait3A_769 = arith.constant 0 : i32
        %dma_wait3A_770 = arith.constant 0 : i32
        %dma_wait3A_771 = tpu.memref_slice %arg3[%dma_wait3A_769, %dma_wait3A_770] : memref<100000x32xf32, #tpu.memory_space<hbm>> -> memref<128x32xf32, #tpu.memory_space<hbm>>
        tpu.wait_dma2 semaphore(%dma_wait3A_764 : memref<!tpu.dma_semaphore, #tpu.memory_space<semaphore_mem>>) src(%dma_wait3A_771 : memref<128x32xf32, #tpu.memory_space<hbm>>) dst(%dma_wait3A_768 : memref<128x32xf32, #tpu.memory_space<vmem>>)
      } else {
      }
      %dma_start3A_194 = arith.constant 0 : i32
      %dma_start3A_195 = arith.constant 0 : i32
      %dma_start3A_196 = arith.constant 0 : i32
      %dma_start3A_197 = arith.constant 0 : i32
      %dma_start3A_198 = arith.constant 0 : i32
      %dma_start3A_199 = tpu.memref_slice %arg10[%dma_start3A_194, %dma_start3A_197, %dma_start3A_198] : memref<5x32x128xf32, #tpu.memory_space<vmem>> -> memref<1x8x128xf32, #tpu.memory_space<vmem>>
      %dma_start3A_200 = tpu.memref_squeeze %dma_start3A_199 : memref<1x8x128xf32, #tpu.memory_space<vmem>> -> memref<8x128xf32, #tpu.memory_space<vmem>>
      %dma_start3A_201 = arith.constant 0 : i32
      %dma_start3A_202 = arith.constant 0 : i32
      %dma_start3A_203 = tpu.memref_slice %arg5[%add3A_171, %dma_start3A_195, %add3A, %dma_start3A_201, %dma_start3A_202] : memref<200x4x32x8x128xf32, #tpu.memory_space<hbm>> -> memref<1x1x1x8x128xf32, #tpu.memory_space<hbm>>
      %dma_start3A_204 = tpu.memref_squeeze %dma_start3A_203 : memref<1x1x1x8x128xf32, #tpu.memory_space<hbm>> -> memref<8x128xf32, #tpu.memory_space<hbm>>
      %dma_start3A_205 = tpu.memref_slice %arg12[%dma_start3A_196] : memref<5x!tpu.dma_semaphore, #tpu.memory_space<semaphore_mem>> -> memref<1x!tpu.dma_semaphore, #tpu.memory_space<semaphore_mem>>
      %dma_start3A_206 = tpu.memref_squeeze %dma_start3A_205 : memref<1x!tpu.dma_semaphore, #tpu.memory_space<semaphore_mem>> -> memref<!tpu.dma_semaphore, #tpu.memory_space<semaphore_mem>>
      %dma_start3A_207 = arith.constant 0 : i32
      %dma_start3A_208 = arith.constant 0 : i32
      %dma_start3A_209 = tpu.memref_slice %arg5[%add3A_171, %dma_start3A_195, %add3A, %dma_start3A_207, %dma_start3A_208] : memref<200x4x32x8x128xf32, #tpu.memory_space<hbm>> -> memref<1x1x1x8x128xf32, #tpu.memory_space<hbm>>
      %dma_start3A_210 = tpu.memref_squeeze %dma_start3A_209 : memref<1x1x1x8x128xf32, #tpu.memory_space<hbm>> -> memref<8x128xf32, #tpu.memory_space<hbm>>
      %dma_start3A_211 = arith.constant 0 : i32
      %dma_start3A_212 = arith.constant 0 : i32
      %dma_start3A_213 = tpu.memref_slice %arg10[%dma_start3A_194, %dma_start3A_211, %dma_start3A_212] : memref<5x32x128xf32, #tpu.memory_space<vmem>> -> memref<1x8x128xf32, #tpu.memory_space<vmem>>
      %dma_start3A_214 = tpu.memref_squeeze %dma_start3A_213 : memref<1x8x128xf32, #tpu.memory_space<vmem>> -> memref<8x128xf32, #tpu.memory_space<vmem>>
      tpu.enqueue_dma source(%dma_start3A_214 : memref<8x128xf32, #tpu.memory_space<vmem>>) target(%dma_start3A_210 : memref<8x128xf32, #tpu.memory_space<hbm>>) target_semaphore(%dma_start3A_206 : memref<!tpu.dma_semaphore, #tpu.memory_space<semaphore_mem>>)
      %dma_start3A_215 = arith.constant 0 : i32
      %dma_start3A_216 = arith.constant 1 : i32
      %dma_start3A_217 = arith.constant 0 : i32
      %dma_start3A_218 = arith.constant 8 : i32
      %dma_start3A_219 = arith.constant 0 : i32
      %dma_start3A_220 = tpu.memref_slice %arg10[%dma_start3A_215, %dma_start3A_218, %dma_start3A_219] : memref<5x32x128xf32, #tpu.memory_space<vmem>> -> memref<1x8x128xf32, #tpu.memory_space<vmem>>
      %dma_start3A_221 = tpu.memref_squeeze %dma_start3A_220 : memref<1x8x128xf32, #tpu.memory_space<vmem>> -> memref<8x128xf32, #tpu.memory_space<vmem>>
      %dma_start3A_222 = arith.constant 0 : i32
      %dma_start3A_223 = arith.constant 0 : i32
      %dma_start3A_224 = tpu.memref_slice %arg5[%add3A_171, %dma_start3A_216, %add3A, %dma_start3A_222, %dma_start3A_223] : memref<200x4x32x8x128xf32, #tpu.memory_space<hbm>> -> memref<1x1x1x8x128xf32, #tpu.memory_space<hbm>>
      %dma_start3A_225 = tpu.memref_squeeze %dma_start3A_224 : memref<1x1x1x8x128xf32, #tpu.memory_space<hbm>> -> memref<8x128xf32, #tpu.memory_space<hbm>>
      %dma_start3A_226 = tpu.memref_slice %arg12[%dma_start3A_217] : memref<5x!tpu.dma_semaphore, #tpu.memory_space<semaphore_mem>> -> memref<1x!tpu.dma_semaphore, #tpu.memory_space<semaphore_mem>>
      %dma_start3A_227 = tpu.memref_squeeze %dma_start3A_226 : memref<1x!tpu.dma_semaphore, #tpu.memory_space<semaphore_mem>> -> memref<!tpu.dma_semaphore, #tpu.memory_space<semaphore_mem>>
      %dma_start3A_228 = arith.constant 0 : i32
      %dma_start3A_229 = arith.constant 0 : i32
      %dma_start3A_230 = tpu.memref_slice %arg5[%add3A_171, %dma_start3A_216, %add3A, %dma_start3A_228, %dma_start3A_229] : memref<200x4x32x8x128xf32, #tpu.memory_space<hbm>> -> memref<1x1x1x8x128xf32, #tpu.memory_space<hbm>>
      %dma_start3A_231 = tpu.memref_squeeze %dma_start3A_230 : memref<1x1x1x8x128xf32, #tpu.memory_space<hbm>> -> memref<8x128xf32, #tpu.memory_space<hbm>>
      %dma_start3A_232 = arith.constant 8 : i32
      %dma_start3A_233 = arith.constant 0 : i32
      %dma_start3A_234 = tpu.memref_slice %arg10[%dma_start3A_215, %dma_start3A_232, %dma_start3A_233] : memref<5x32x128xf32, #tpu.memory_space<vmem>> -> memref<1x8x128xf32, #tpu.memory_space<vmem>>
      %dma_start3A_235 = tpu.memref_squeeze %dma_start3A_234 : memref<1x8x128xf32, #tpu.memory_space<vmem>> -> memref<8x128xf32, #tpu.memory_space<vmem>>
      tpu.enqueue_dma source(%dma_start3A_235 : memref<8x128xf32, #tpu.memory_space<vmem>>) target(%dma_start3A_231 : memref<8x128xf32, #tpu.memory_space<hbm>>) target_semaphore(%dma_start3A_227 : memref<!tpu.dma_semaphore, #tpu.memory_space<semaphore_mem>>)
      %dma_start3A_236 = arith.constant 0 : i32
      %dma_start3A_237 = arith.constant 2 : i32
      %dma_start3A_238 = arith.constant 0 : i32
      %dma_start3A_239 = arith.constant 16 : i32
      %dma_start3A_240 = arith.constant 0 : i32
      %dma_start3A_241 = tpu.memref_slice %arg10[%dma_start3A_236, %dma_start3A_239, %dma_start3A_240] : memref<5x32x128xf32, #tpu.memory_space<vmem>> -> memref<1x8x128xf32, #tpu.memory_space<vmem>>
      %dma_start3A_242 = tpu.memref_squeeze %dma_start3A_241 : memref<1x8x128xf32, #tpu.memory_space<vmem>> -> memref<8x128xf32, #tpu.memory_space<vmem>>
      %dma_start3A_243 = arith.constant 0 : i32
      %dma_start3A_244 = arith.constant 0 : i32
      %dma_start3A_245 = tpu.memref_slice %arg5[%add3A_171, %dma_start3A_237, %add3A, %dma_start3A_243, %dma_start3A_244] : memref<200x4x32x8x128xf32, #tpu.memory_space<hbm>> -> memref<1x1x1x8x128xf32, #tpu.memory_space<hbm>>
      %dma_start3A_246 = tpu.memref_squeeze %dma_start3A_245 : memref<1x1x1x8x128xf32, #tpu.memory_space<hbm>> -> memref<8x128xf32, #tpu.memory_space<hbm>>
      %dma_start3A_247 = tpu.memref_slice %arg12[%dma_start3A_238] : memref<5x!tpu.dma_semaphore, #tpu.memory_space<semaphore_mem>> -> memref<1x!tpu.dma_semaphore, #tpu.memory_space<semaphore_mem>>
      %dma_start3A_248 = tpu.memref_squeeze %dma_start3A_247 : memref<1x!tpu.dma_semaphore, #tpu.memory_space<semaphore_mem>> -> memref<!tpu.dma_semaphore, #tpu.memory_space<semaphore_mem>>
      %dma_start3A_249 = arith.constant 0 : i32
      %dma_start3A_250 = arith.constant 0 : i32
      %dma_start3A_251 = tpu.memref_slice %arg5[%add3A_171, %dma_start3A_237, %add3A, %dma_start3A_249, %dma_start3A_250] : memref<200x4x32x8x128xf32, #tpu.memory_space<hbm>> -> memref<1x1x1x8x128xf32, #tpu.memory_space<hbm>>
      %dma_start3A_252 = tpu.memref_squeeze %dma_start3A_251 : memref<1x1x1x8x128xf32, #tpu.memory_space<hbm>> -> memref<8x128xf32, #tpu.memory_space<hbm>>
      %dma_start3A_253 = arith.constant 16 : i32
      %dma_start3A_254 = arith.constant 0 : i32
      %dma_start3A_255 = tpu.memref_slice %arg10[%dma_start3A_236, %dma_start3A_253, %dma_start3A_254] : memref<5x32x128xf32, #tpu.memory_space<vmem>> -> memref<1x8x128xf32, #tpu.memory_space<vmem>>
      %dma_start3A_256 = tpu.memref_squeeze %dma_start3A_255 : memref<1x8x128xf32, #tpu.memory_space<vmem>> -> memref<8x128xf32, #tpu.memory_space<vmem>>
      tpu.enqueue_dma source(%dma_start3A_256 : memref<8x128xf32, #tpu.memory_space<vmem>>) target(%dma_start3A_252 : memref<8x128xf32, #tpu.memory_space<hbm>>) target_semaphore(%dma_start3A_248 : memref<!tpu.dma_semaphore, #tpu.memory_space<semaphore_mem>>)
      %dma_start3A_257 = arith.constant 0 : i32
      %dma_start3A_258 = arith.constant 3 : i32
      %dma_start3A_259 = arith.constant 0 : i32
      %dma_start3A_260 = arith.constant 24 : i32
      %dma_start3A_261 = arith.constant 0 : i32
      %dma_start3A_262 = tpu.memref_slice %arg10[%dma_start3A_257, %dma_start3A_260, %dma_start3A_261] : memref<5x32x128xf32, #tpu.memory_space<vmem>> -> memref<1x8x128xf32, #tpu.memory_space<vmem>>
      %dma_start3A_263 = tpu.memref_squeeze %dma_start3A_262 : memref<1x8x128xf32, #tpu.memory_space<vmem>> -> memref<8x128xf32, #tpu.memory_space<vmem>>
      %dma_start3A_264 = arith.constant 0 : i32
      %dma_start3A_265 = arith.constant 0 : i32
      %dma_start3A_266 = tpu.memref_slice %arg5[%add3A_171, %dma_start3A_258, %add3A, %dma_start3A_264, %dma_start3A_265] : memref<200x4x32x8x128xf32, #tpu.memory_space<hbm>> -> memref<1x1x1x8x128xf32, #tpu.memory_space<hbm>>
      %dma_start3A_267 = tpu.memref_squeeze %dma_start3A_266 : memref<1x1x1x8x128xf32, #tpu.memory_space<hbm>> -> memref<8x128xf32, #tpu.memory_space<hbm>>
      %dma_start3A_268 = tpu.memref_slice %arg12[%dma_start3A_259] : memref<5x!tpu.dma_semaphore, #tpu.memory_space<semaphore_mem>> -> memref<1x!tpu.dma_semaphore, #tpu.memory_space<semaphore_mem>>
      %dma_start3A_269 = tpu.memref_squeeze %dma_start3A_268 : memref<1x!tpu.dma_semaphore, #tpu.memory_space<semaphore_mem>> -> memref<!tpu.dma_semaphore, #tpu.memory_space<semaphore_mem>>
      %dma_start3A_270 = arith.constant 0 : i32
      %dma_start3A_271 = arith.constant 0 : i32
      %dma_start3A_272 = tpu.memref_slice %arg5[%add3A_171, %dma_start3A_258, %add3A, %dma_start3A_270, %dma_start3A_271] : memref<200x4x32x8x128xf32, #tpu.memory_space<hbm>> -> memref<1x1x1x8x128xf32, #tpu.memory_space<hbm>>
      %dma_start3A_273 = tpu.memref_squeeze %dma_start3A_272 : memref<1x1x1x8x128xf32, #tpu.memory_space<hbm>> -> memref<8x128xf32, #tpu.memory_space<hbm>>
      %dma_start3A_274 = arith.constant 24 : i32
      %dma_start3A_275 = arith.constant 0 : i32
      %dma_start3A_276 = tpu.memref_slice %arg10[%dma_start3A_257, %dma_start3A_274, %dma_start3A_275] : memref<5x32x128xf32, #tpu.memory_space<vmem>> -> memref<1x8x128xf32, #tpu.memory_space<vmem>>
      %dma_start3A_277 = tpu.memref_squeeze %dma_start3A_276 : memref<1x8x128xf32, #tpu.memory_space<vmem>> -> memref<8x128xf32, #tpu.memory_space<vmem>>
      tpu.enqueue_dma source(%dma_start3A_277 : memref<8x128xf32, #tpu.memory_space<vmem>>) target(%dma_start3A_273 : memref<8x128xf32, #tpu.memory_space<hbm>>) target_semaphore(%dma_start3A_269 : memref<!tpu.dma_semaphore, #tpu.memory_space<semaphore_mem>>)
      %lt3A = arith.constant 200 : i32
      %lt3A_278 = arith.cmpi slt, %add3A_173, %lt3A : i32
      %convert_element_type3A_279 = arith.extui %lt3A_278 : i1 to i32
      %cond3A_280 = arith.constant 0 : i32
      %cond3A_281 = arith.cmpi ne, %convert_element_type3A_279, %cond3A_280 : i32
      scf.if %cond3A_281 {
        %dma_start3A_754 = arith.constant 3 : i32
        %dma_start3A_755 = arith.constant 3 : i32
        %dma_start3A_756 = arith.constant 0 : i32
        %dma_start3A_757 = arith.constant 0 : i32
        %dma_start3A_758 = tpu.memref_slice %arg9[%dma_start3A_754, %dma_start3A_756, %dma_start3A_757] : memref<5x128x32xf32, #tpu.memory_space<vmem>> -> memref<1x128x32xf32, #tpu.memory_space<vmem>>
        %dma_start3A_759 = tpu.memref_squeeze %dma_start3A_758 : memref<1x128x32xf32, #tpu.memory_space<vmem>> -> memref<128x32xf32, #tpu.memory_space<vmem>>
        %dma_start3A_760 = arith.constant 0 : i32
        %dma_start3A_761 = tpu.memref_slice %arg7[%add3A_173, %dma_start3A_760] : memref<200x128xi32, #tpu.memory_space<vmem>> -> memref<1x128xi32, #tpu.memory_space<vmem>>
        %dma_start3A_762 = tpu.memref_squeeze %dma_start3A_761 : memref<1x128xi32, #tpu.memory_space<vmem>> -> memref<128xi32, #tpu.memory_space<vmem>>
        %dma_start3A_763 = arith.constant 0 : i32
        %dma_start3A_764 = arith.constant 0 : i32
        %dma_start3A_765 = tpu.memref_slice %arg3[%dma_start3A_763, %dma_start3A_764] : memref<100000x32xf32, #tpu.memory_space<hbm>> -> memref<100000x32xf32, #tpu.memory_space<hbm>>
        %dma_start3A_766 = tpu.memref_slice %arg11[%dma_start3A_755] : memref<5x!tpu.dma_semaphore, #tpu.memory_space<semaphore_mem>> -> memref<1x!tpu.dma_semaphore, #tpu.memory_space<semaphore_mem>>
        %dma_start3A_767 = tpu.memref_squeeze %dma_start3A_766 : memref<1x!tpu.dma_semaphore, #tpu.memory_space<semaphore_mem>> -> memref<!tpu.dma_semaphore, #tpu.memory_space<semaphore_mem>>
        tpu.enqueue_indirect_dma source(%dma_start3A_765 : memref<100000x32xf32, #tpu.memory_space<hbm>>) target(%dma_start3A_759 : memref<128x32xf32, #tpu.memory_space<vmem>>) offsets(%dma_start3A_762 : memref<128xi32, #tpu.memory_space<vmem>>) semaphore(%dma_start3A_767 : memref<!tpu.dma_semaphore, #tpu.memory_space<semaphore_mem>>)
      } else {
      }
      %mul3A_282 = arith.constant 5 : i32
      %mul3A_283 = arith.muli %scan3A_167, %mul3A_282 : i32
      %add3A_284 = arith.constant 1 : i32
      %add3A_285 = arith.addi %mul3A_283, %add3A_284 : i32
      %add3A_286 = arith.constant 3 : i32
      %add3A_287 = arith.addi %add3A_285, %add3A_286 : i32
      %dma_wait3A_288 = arith.constant 1 : i32
      %dma_wait3A_289 = arith.constant 1 : i32
      %dma_wait3A_290 = arith.constant 0 : i32
      %dma_wait3A_291 = arith.constant 0 : i32
      %dma_wait3A_292 = tpu.memref_slice %arg9[%dma_wait3A_288, %dma_wait3A_290, %dma_wait3A_291] : memref<5x128x32xf32, #tpu.memory_space<vmem>> -> memref<1x128x32xf32, #tpu.memory_space<vmem>>
      %dma_wait3A_293 = tpu.memref_squeeze %dma_wait3A_292 : memref<1x128x32xf32, #tpu.memory_space<vmem>> -> memref<128x32xf32, #tpu.memory_space<vmem>>
      %dma_wait3A_294 = arith.constant 0 : i32
      %dma_wait3A_295 = arith.constant 0 : i32
      %dma_wait3A_296 = tpu.memref_slice %arg3[%dma_wait3A_294, %dma_wait3A_295] : memref<100000x32xf32, #tpu.memory_space<hbm>> -> memref<128x32xf32, #tpu.memory_space<hbm>>
      %dma_wait3A_297 = tpu.memref_slice %arg11[%dma_wait3A_289] : memref<5x!tpu.dma_semaphore, #tpu.memory_space<semaphore_mem>> -> memref<1x!tpu.dma_semaphore, #tpu.memory_space<semaphore_mem>>
      %dma_wait3A_298 = tpu.memref_squeeze %dma_wait3A_297 : memref<1x!tpu.dma_semaphore, #tpu.memory_space<semaphore_mem>> -> memref<!tpu.dma_semaphore, #tpu.memory_space<semaphore_mem>>
      %dma_wait3A_299 = arith.constant 0 : i32
      %dma_wait3A_300 = arith.constant 0 : i32
      %dma_wait3A_301 = tpu.memref_slice %arg9[%dma_wait3A_288, %dma_wait3A_299, %dma_wait3A_300] : memref<5x128x32xf32, #tpu.memory_space<vmem>> -> memref<1x128x32xf32, #tpu.memory_space<vmem>>
      %dma_wait3A_302 = tpu.memref_squeeze %dma_wait3A_301 : memref<1x128x32xf32, #tpu.memory_space<vmem>> -> memref<128x32xf32, #tpu.memory_space<vmem>>
      %dma_wait3A_303 = arith.constant 0 : i32
      %dma_wait3A_304 = arith.constant 0 : i32
      %dma_wait3A_305 = tpu.memref_slice %arg3[%dma_wait3A_303, %dma_wait3A_304] : memref<100000x32xf32, #tpu.memory_space<hbm>> -> memref<128x32xf32, #tpu.memory_space<hbm>>
      tpu.wait_dma2 semaphore(%dma_wait3A_298 : memref<!tpu.dma_semaphore, #tpu.memory_space<semaphore_mem>>) src(%dma_wait3A_305 : memref<128x32xf32, #tpu.memory_space<hbm>>) dst(%dma_wait3A_302 : memref<128x32xf32, #tpu.memory_space<vmem>>)
      %ge3A_306 = arith.constant 5 : i32
      %ge3A_307 = arith.cmpi sge, %add3A_285, %ge3A_306 : i32
      %convert_element_type3A_308 = arith.extui %ge3A_307 : i1 to i32
      %cond3A_309 = arith.constant 0 : i32
      %cond3A_310 = arith.cmpi ne, %convert_element_type3A_308, %cond3A_309 : i32
      scf.if %cond3A_310 {
        %dma_wait3A_754 = arith.constant 1 : i32
        %dma_wait3A_755 = arith.constant 1 : i32
        %dma_wait3A_756 = arith.constant 0 : i32
        %dma_wait3A_757 = arith.constant 0 : i32
        %dma_wait3A_758 = tpu.memref_slice %arg9[%dma_wait3A_754, %dma_wait3A_756, %dma_wait3A_757] : memref<5x128x32xf32, #tpu.memory_space<vmem>> -> memref<1x128x32xf32, #tpu.memory_space<vmem>>
        %dma_wait3A_759 = tpu.memref_squeeze %dma_wait3A_758 : memref<1x128x32xf32, #tpu.memory_space<vmem>> -> memref<128x32xf32, #tpu.memory_space<vmem>>
        %dma_wait3A_760 = arith.constant 0 : i32
        %dma_wait3A_761 = arith.constant 0 : i32
        %dma_wait3A_762 = tpu.memref_slice %arg3[%dma_wait3A_760, %dma_wait3A_761] : memref<100000x32xf32, #tpu.memory_space<hbm>> -> memref<128x32xf32, #tpu.memory_space<hbm>>
        %dma_wait3A_763 = tpu.memref_slice %arg12[%dma_wait3A_755] : memref<5x!tpu.dma_semaphore, #tpu.memory_space<semaphore_mem>> -> memref<1x!tpu.dma_semaphore, #tpu.memory_space<semaphore_mem>>
        %dma_wait3A_764 = tpu.memref_squeeze %dma_wait3A_763 : memref<1x!tpu.dma_semaphore, #tpu.memory_space<semaphore_mem>> -> memref<!tpu.dma_semaphore, #tpu.memory_space<semaphore_mem>>
        %dma_wait3A_765 = arith.constant 0 : i32
        %dma_wait3A_766 = arith.constant 0 : i32
        %dma_wait3A_767 = tpu.memref_slice %arg9[%dma_wait3A_754, %dma_wait3A_765, %dma_wait3A_766] : memref<5x128x32xf32, #tpu.memory_space<vmem>> -> memref<1x128x32xf32, #tpu.memory_space<vmem>>
        %dma_wait3A_768 = tpu.memref_squeeze %dma_wait3A_767 : memref<1x128x32xf32, #tpu.memory_space<vmem>> -> memref<128x32xf32, #tpu.memory_space<vmem>>
        %dma_wait3A_769 = arith.constant 0 : i32
        %dma_wait3A_770 = arith.constant 0 : i32
        %dma_wait3A_771 = tpu.memref_slice %arg3[%dma_wait3A_769, %dma_wait3A_770] : memref<100000x32xf32, #tpu.memory_space<hbm>> -> memref<128x32xf32, #tpu.memory_space<hbm>>
        tpu.wait_dma2 semaphore(%dma_wait3A_764 : memref<!tpu.dma_semaphore, #tpu.memory_space<semaphore_mem>>) src(%dma_wait3A_771 : memref<128x32xf32, #tpu.memory_space<hbm>>) dst(%dma_wait3A_768 : memref<128x32xf32, #tpu.memory_space<vmem>>)
      } else {
      }
      %dma_start3A_311 = arith.constant 1 : i32
      %dma_start3A_312 = arith.constant 0 : i32
      %dma_start3A_313 = arith.constant 1 : i32
      %dma_start3A_314 = arith.constant 0 : i32
      %dma_start3A_315 = arith.constant 0 : i32
      %dma_start3A_316 = tpu.memref_slice %arg10[%dma_start3A_311, %dma_start3A_314, %dma_start3A_315] : memref<5x32x128xf32, #tpu.memory_space<vmem>> -> memref<1x8x128xf32, #tpu.memory_space<vmem>>
      %dma_start3A_317 = tpu.memref_squeeze %dma_start3A_316 : memref<1x8x128xf32, #tpu.memory_space<vmem>> -> memref<8x128xf32, #tpu.memory_space<vmem>>
      %dma_start3A_318 = arith.constant 0 : i32
      %dma_start3A_319 = arith.constant 0 : i32
      %dma_start3A_320 = tpu.memref_slice %arg5[%add3A_285, %dma_start3A_312, %add3A, %dma_start3A_318, %dma_start3A_319] : memref<200x4x32x8x128xf32, #tpu.memory_space<hbm>> -> memref<1x1x1x8x128xf32, #tpu.memory_space<hbm>>
      %dma_start3A_321 = tpu.memref_squeeze %dma_start3A_320 : memref<1x1x1x8x128xf32, #tpu.memory_space<hbm>> -> memref<8x128xf32, #tpu.memory_space<hbm>>
      %dma_start3A_322 = tpu.memref_slice %arg12[%dma_start3A_313] : memref<5x!tpu.dma_semaphore, #tpu.memory_space<semaphore_mem>> -> memref<1x!tpu.dma_semaphore, #tpu.memory_space<semaphore_mem>>
      %dma_start3A_323 = tpu.memref_squeeze %dma_start3A_322 : memref<1x!tpu.dma_semaphore, #tpu.memory_space<semaphore_mem>> -> memref<!tpu.dma_semaphore, #tpu.memory_space<semaphore_mem>>
      %dma_start3A_324 = arith.constant 0 : i32
      %dma_start3A_325 = arith.constant 0 : i32
      %dma_start3A_326 = tpu.memref_slice %arg5[%add3A_285, %dma_start3A_312, %add3A, %dma_start3A_324, %dma_start3A_325] : memref<200x4x32x8x128xf32, #tpu.memory_space<hbm>> -> memref<1x1x1x8x128xf32, #tpu.memory_space<hbm>>
      %dma_start3A_327 = tpu.memref_squeeze %dma_start3A_326 : memref<1x1x1x8x128xf32, #tpu.memory_space<hbm>> -> memref<8x128xf32, #tpu.memory_space<hbm>>
      %dma_start3A_328 = arith.constant 0 : i32
      %dma_start3A_329 = arith.constant 0 : i32
      %dma_start3A_330 = tpu.memref_slice %arg10[%dma_start3A_311, %dma_start3A_328, %dma_start3A_329] : memref<5x32x128xf32, #tpu.memory_space<vmem>> -> memref<1x8x128xf32, #tpu.memory_space<vmem>>
      %dma_start3A_331 = tpu.memref_squeeze %dma_start3A_330 : memref<1x8x128xf32, #tpu.memory_space<vmem>> -> memref<8x128xf32, #tpu.memory_space<vmem>>
      tpu.enqueue_dma source(%dma_start3A_331 : memref<8x128xf32, #tpu.memory_space<vmem>>) target(%dma_start3A_327 : memref<8x128xf32, #tpu.memory_space<hbm>>) target_semaphore(%dma_start3A_323 : memref<!tpu.dma_semaphore, #tpu.memory_space<semaphore_mem>>)
      %dma_start3A_332 = arith.constant 1 : i32
      %dma_start3A_333 = arith.constant 1 : i32
      %dma_start3A_334 = arith.constant 1 : i32
      %dma_start3A_335 = arith.constant 8 : i32
      %dma_start3A_336 = arith.constant 0 : i32
      %dma_start3A_337 = tpu.memref_slice %arg10[%dma_start3A_332, %dma_start3A_335, %dma_start3A_336] : memref<5x32x128xf32, #tpu.memory_space<vmem>> -> memref<1x8x128xf32, #tpu.memory_space<vmem>>
      %dma_start3A_338 = tpu.memref_squeeze %dma_start3A_337 : memref<1x8x128xf32, #tpu.memory_space<vmem>> -> memref<8x128xf32, #tpu.memory_space<vmem>>
      %dma_start3A_339 = arith.constant 0 : i32
      %dma_start3A_340 = arith.constant 0 : i32
      %dma_start3A_341 = tpu.memref_slice %arg5[%add3A_285, %dma_start3A_333, %add3A, %dma_start3A_339, %dma_start3A_340] : memref<200x4x32x8x128xf32, #tpu.memory_space<hbm>> -> memref<1x1x1x8x128xf32, #tpu.memory_space<hbm>>
      %dma_start3A_342 = tpu.memref_squeeze %dma_start3A_341 : memref<1x1x1x8x128xf32, #tpu.memory_space<hbm>> -> memref<8x128xf32, #tpu.memory_space<hbm>>
      %dma_start3A_343 = tpu.memref_slice %arg12[%dma_start3A_334] : memref<5x!tpu.dma_semaphore, #tpu.memory_space<semaphore_mem>> -> memref<1x!tpu.dma_semaphore, #tpu.memory_space<semaphore_mem>>
      %dma_start3A_344 = tpu.memref_squeeze %dma_start3A_343 : memref<1x!tpu.dma_semaphore, #tpu.memory_space<semaphore_mem>> -> memref<!tpu.dma_semaphore, #tpu.memory_space<semaphore_mem>>
      %dma_start3A_345 = arith.constant 0 : i32
      %dma_start3A_346 = arith.constant 0 : i32
      %dma_start3A_347 = tpu.memref_slice %arg5[%add3A_285, %dma_start3A_333, %add3A, %dma_start3A_345, %dma_start3A_346] : memref<200x4x32x8x128xf32, #tpu.memory_space<hbm>> -> memref<1x1x1x8x128xf32, #tpu.memory_space<hbm>>
      %dma_start3A_348 = tpu.memref_squeeze %dma_start3A_347 : memref<1x1x1x8x128xf32, #tpu.memory_space<hbm>> -> memref<8x128xf32, #tpu.memory_space<hbm>>
      %dma_start3A_349 = arith.constant 8 : i32
      %dma_start3A_350 = arith.constant 0 : i32
      %dma_start3A_351 = tpu.memref_slice %arg10[%dma_start3A_332, %dma_start3A_349, %dma_start3A_350] : memref<5x32x128xf32, #tpu.memory_space<vmem>> -> memref<1x8x128xf32, #tpu.memory_space<vmem>>
      %dma_start3A_352 = tpu.memref_squeeze %dma_start3A_351 : memref<1x8x128xf32, #tpu.memory_space<vmem>> -> memref<8x128xf32, #tpu.memory_space<vmem>>
      tpu.enqueue_dma source(%dma_start3A_352 : memref<8x128xf32, #tpu.memory_space<vmem>>) target(%dma_start3A_348 : memref<8x128xf32, #tpu.memory_space<hbm>>) target_semaphore(%dma_start3A_344 : memref<!tpu.dma_semaphore, #tpu.memory_space<semaphore_mem>>)
      %dma_start3A_353 = arith.constant 1 : i32
      %dma_start3A_354 = arith.constant 2 : i32
      %dma_start3A_355 = arith.constant 1 : i32
      %dma_start3A_356 = arith.constant 16 : i32
      %dma_start3A_357 = arith.constant 0 : i32
      %dma_start3A_358 = tpu.memref_slice %arg10[%dma_start3A_353, %dma_start3A_356, %dma_start3A_357] : memref<5x32x128xf32, #tpu.memory_space<vmem>> -> memref<1x8x128xf32, #tpu.memory_space<vmem>>
      %dma_start3A_359 = tpu.memref_squeeze %dma_start3A_358 : memref<1x8x128xf32, #tpu.memory_space<vmem>> -> memref<8x128xf32, #tpu.memory_space<vmem>>
      %dma_start3A_360 = arith.constant 0 : i32
      %dma_start3A_361 = arith.constant 0 : i32
      %dma_start3A_362 = tpu.memref_slice %arg5[%add3A_285, %dma_start3A_354, %add3A, %dma_start3A_360, %dma_start3A_361] : memref<200x4x32x8x128xf32, #tpu.memory_space<hbm>> -> memref<1x1x1x8x128xf32, #tpu.memory_space<hbm>>
      %dma_start3A_363 = tpu.memref_squeeze %dma_start3A_362 : memref<1x1x1x8x128xf32, #tpu.memory_space<hbm>> -> memref<8x128xf32, #tpu.memory_space<hbm>>
      %dma_start3A_364 = tpu.memref_slice %arg12[%dma_start3A_355] : memref<5x!tpu.dma_semaphore, #tpu.memory_space<semaphore_mem>> -> memref<1x!tpu.dma_semaphore, #tpu.memory_space<semaphore_mem>>
      %dma_start3A_365 = tpu.memref_squeeze %dma_start3A_364 : memref<1x!tpu.dma_semaphore, #tpu.memory_space<semaphore_mem>> -> memref<!tpu.dma_semaphore, #tpu.memory_space<semaphore_mem>>
      %dma_start3A_366 = arith.constant 0 : i32
      %dma_start3A_367 = arith.constant 0 : i32
      %dma_start3A_368 = tpu.memref_slice %arg5[%add3A_285, %dma_start3A_354, %add3A, %dma_start3A_366, %dma_start3A_367] : memref<200x4x32x8x128xf32, #tpu.memory_space<hbm>> -> memref<1x1x1x8x128xf32, #tpu.memory_space<hbm>>
      %dma_start3A_369 = tpu.memref_squeeze %dma_start3A_368 : memref<1x1x1x8x128xf32, #tpu.memory_space<hbm>> -> memref<8x128xf32, #tpu.memory_space<hbm>>
      %dma_start3A_370 = arith.constant 16 : i32
      %dma_start3A_371 = arith.constant 0 : i32
      %dma_start3A_372 = tpu.memref_slice %arg10[%dma_start3A_353, %dma_start3A_370, %dma_start3A_371] : memref<5x32x128xf32, #tpu.memory_space<vmem>> -> memref<1x8x128xf32, #tpu.memory_space<vmem>>
      %dma_start3A_373 = tpu.memref_squeeze %dma_start3A_372 : memref<1x8x128xf32, #tpu.memory_space<vmem>> -> memref<8x128xf32, #tpu.memory_space<vmem>>
      tpu.enqueue_dma source(%dma_start3A_373 : memref<8x128xf32, #tpu.memory_space<vmem>>) target(%dma_start3A_369 : memref<8x128xf32, #tpu.memory_space<hbm>>) target_semaphore(%dma_start3A_365 : memref<!tpu.dma_semaphore, #tpu.memory_space<semaphore_mem>>)
      %dma_start3A_374 = arith.constant 1 : i32
      %dma_start3A_375 = arith.constant 3 : i32
      %dma_start3A_376 = arith.constant 1 : i32
      %dma_start3A_377 = arith.constant 24 : i32
      %dma_start3A_378 = arith.constant 0 : i32
      %dma_start3A_379 = tpu.memref_slice %arg10[%dma_start3A_374, %dma_start3A_377, %dma_start3A_378] : memref<5x32x128xf32, #tpu.memory_space<vmem>> -> memref<1x8x128xf32, #tpu.memory_space<vmem>>
      %dma_start3A_380 = tpu.memref_squeeze %dma_start3A_379 : memref<1x8x128xf32, #tpu.memory_space<vmem>> -> memref<8x128xf32, #tpu.memory_space<vmem>>
      %dma_start3A_381 = arith.constant 0 : i32
      %dma_start3A_382 = arith.constant 0 : i32
      %dma_start3A_383 = tpu.memref_slice %arg5[%add3A_285, %dma_start3A_375, %add3A, %dma_start3A_381, %dma_start3A_382] : memref<200x4x32x8x128xf32, #tpu.memory_space<hbm>> -> memref<1x1x1x8x128xf32, #tpu.memory_space<hbm>>
      %dma_start3A_384 = tpu.memref_squeeze %dma_start3A_383 : memref<1x1x1x8x128xf32, #tpu.memory_space<hbm>> -> memref<8x128xf32, #tpu.memory_space<hbm>>
      %dma_start3A_385 = tpu.memref_slice %arg12[%dma_start3A_376] : memref<5x!tpu.dma_semaphore, #tpu.memory_space<semaphore_mem>> -> memref<1x!tpu.dma_semaphore, #tpu.memory_space<semaphore_mem>>
      %dma_start3A_386 = tpu.memref_squeeze %dma_start3A_385 : memref<1x!tpu.dma_semaphore, #tpu.memory_space<semaphore_mem>> -> memref<!tpu.dma_semaphore, #tpu.memory_space<semaphore_mem>>
      %dma_start3A_387 = arith.constant 0 : i32
      %dma_start3A_388 = arith.constant 0 : i32
      %dma_start3A_389 = tpu.memref_slice %arg5[%add3A_285, %dma_start3A_375, %add3A, %dma_start3A_387, %dma_start3A_388] : memref<200x4x32x8x128xf32, #tpu.memory_space<hbm>> -> memref<1x1x1x8x128xf32, #tpu.memory_space<hbm>>
      %dma_start3A_390 = tpu.memref_squeeze %dma_start3A_389 : memref<1x1x1x8x128xf32, #tpu.memory_space<hbm>> -> memref<8x128xf32, #tpu.memory_space<hbm>>
      %dma_start3A_391 = arith.constant 24 : i32
      %dma_start3A_392 = arith.constant 0 : i32
      %dma_start3A_393 = tpu.memref_slice %arg10[%dma_start3A_374, %dma_start3A_391, %dma_start3A_392] : memref<5x32x128xf32, #tpu.memory_space<vmem>> -> memref<1x8x128xf32, #tpu.memory_space<vmem>>
      %dma_start3A_394 = tpu.memref_squeeze %dma_start3A_393 : memref<1x8x128xf32, #tpu.memory_space<vmem>> -> memref<8x128xf32, #tpu.memory_space<vmem>>
      tpu.enqueue_dma source(%dma_start3A_394 : memref<8x128xf32, #tpu.memory_space<vmem>>) target(%dma_start3A_390 : memref<8x128xf32, #tpu.memory_space<hbm>>) target_semaphore(%dma_start3A_386 : memref<!tpu.dma_semaphore, #tpu.memory_space<semaphore_mem>>)
      %lt3A_395 = arith.constant 200 : i32
      %lt3A_396 = arith.cmpi slt, %add3A_287, %lt3A_395 : i32
      %convert_element_type3A_397 = arith.extui %lt3A_396 : i1 to i32
      %cond3A_398 = arith.constant 0 : i32
      %cond3A_399 = arith.cmpi ne, %convert_element_type3A_397, %cond3A_398 : i32
      scf.if %cond3A_399 {
        %dma_start3A_754 = arith.constant 4 : i32
        %dma_start3A_755 = arith.constant 4 : i32
        %dma_start3A_756 = arith.constant 0 : i32
        %dma_start3A_757 = arith.constant 0 : i32
        %dma_start3A_758 = tpu.memref_slice %arg9[%dma_start3A_754, %dma_start3A_756, %dma_start3A_757] : memref<5x128x32xf32, #tpu.memory_space<vmem>> -> memref<1x128x32xf32, #tpu.memory_space<vmem>>
        %dma_start3A_759 = tpu.memref_squeeze %dma_start3A_758 : memref<1x128x32xf32, #tpu.memory_space<vmem>> -> memref<128x32xf32, #tpu.memory_space<vmem>>
        %dma_start3A_760 = arith.constant 0 : i32
        %dma_start3A_761 = tpu.memref_slice %arg7[%add3A_287, %dma_start3A_760] : memref<200x128xi32, #tpu.memory_space<vmem>> -> memref<1x128xi32, #tpu.memory_space<vmem>>
        %dma_start3A_762 = tpu.memref_squeeze %dma_start3A_761 : memref<1x128xi32, #tpu.memory_space<vmem>> -> memref<128xi32, #tpu.memory_space<vmem>>
        %dma_start3A_763 = arith.constant 0 : i32
        %dma_start3A_764 = arith.constant 0 : i32
        %dma_start3A_765 = tpu.memref_slice %arg3[%dma_start3A_763, %dma_start3A_764] : memref<100000x32xf32, #tpu.memory_space<hbm>> -> memref<100000x32xf32, #tpu.memory_space<hbm>>
        %dma_start3A_766 = tpu.memref_slice %arg11[%dma_start3A_755] : memref<5x!tpu.dma_semaphore, #tpu.memory_space<semaphore_mem>> -> memref<1x!tpu.dma_semaphore, #tpu.memory_space<semaphore_mem>>
        %dma_start3A_767 = tpu.memref_squeeze %dma_start3A_766 : memref<1x!tpu.dma_semaphore, #tpu.memory_space<semaphore_mem>> -> memref<!tpu.dma_semaphore, #tpu.memory_space<semaphore_mem>>
        tpu.enqueue_indirect_dma source(%dma_start3A_765 : memref<100000x32xf32, #tpu.memory_space<hbm>>) target(%dma_start3A_759 : memref<128x32xf32, #tpu.memory_space<vmem>>) offsets(%dma_start3A_762 : memref<128xi32, #tpu.memory_space<vmem>>) semaphore(%dma_start3A_767 : memref<!tpu.dma_semaphore, #tpu.memory_space<semaphore_mem>>)
      } else {
      }
      %mul3A_400 = arith.constant 5 : i32
      %mul3A_401 = arith.muli %scan3A_167, %mul3A_400 : i32
      %add3A_402 = arith.constant 2 : i32
      %add3A_403 = arith.addi %mul3A_401, %add3A_402 : i32
      %add3A_404 = arith.constant 3 : i32
      %add3A_405 = arith.addi %add3A_403, %add3A_404 : i32
      %dma_wait3A_406 = arith.constant 2 : i32
      %dma_wait3A_407 = arith.constant 2 : i32
      %dma_wait3A_408 = arith.constant 0 : i32
      %dma_wait3A_409 = arith.constant 0 : i32
      %dma_wait3A_410 = tpu.memref_slice %arg9[%dma_wait3A_406, %dma_wait3A_408, %dma_wait3A_409] : memref<5x128x32xf32, #tpu.memory_space<vmem>> -> memref<1x128x32xf32, #tpu.memory_space<vmem>>
      %dma_wait3A_411 = tpu.memref_squeeze %dma_wait3A_410 : memref<1x128x32xf32, #tpu.memory_space<vmem>> -> memref<128x32xf32, #tpu.memory_space<vmem>>
      %dma_wait3A_412 = arith.constant 0 : i32
      %dma_wait3A_413 = arith.constant 0 : i32
      %dma_wait3A_414 = tpu.memref_slice %arg3[%dma_wait3A_412, %dma_wait3A_413] : memref<100000x32xf32, #tpu.memory_space<hbm>> -> memref<128x32xf32, #tpu.memory_space<hbm>>
      %dma_wait3A_415 = tpu.memref_slice %arg11[%dma_wait3A_407] : memref<5x!tpu.dma_semaphore, #tpu.memory_space<semaphore_mem>> -> memref<1x!tpu.dma_semaphore, #tpu.memory_space<semaphore_mem>>
      %dma_wait3A_416 = tpu.memref_squeeze %dma_wait3A_415 : memref<1x!tpu.dma_semaphore, #tpu.memory_space<semaphore_mem>> -> memref<!tpu.dma_semaphore, #tpu.memory_space<semaphore_mem>>
      %dma_wait3A_417 = arith.constant 0 : i32
      %dma_wait3A_418 = arith.constant 0 : i32
      %dma_wait3A_419 = tpu.memref_slice %arg9[%dma_wait3A_406, %dma_wait3A_417, %dma_wait3A_418] : memref<5x128x32xf32, #tpu.memory_space<vmem>> -> memref<1x128x32xf32, #tpu.memory_space<vmem>>
      %dma_wait3A_420 = tpu.memref_squeeze %dma_wait3A_419 : memref<1x128x32xf32, #tpu.memory_space<vmem>> -> memref<128x32xf32, #tpu.memory_space<vmem>>
      %dma_wait3A_421 = arith.constant 0 : i32
      %dma_wait3A_422 = arith.constant 0 : i32
      %dma_wait3A_423 = tpu.memref_slice %arg3[%dma_wait3A_421, %dma_wait3A_422] : memref<100000x32xf32, #tpu.memory_space<hbm>> -> memref<128x32xf32, #tpu.memory_space<hbm>>
      tpu.wait_dma2 semaphore(%dma_wait3A_416 : memref<!tpu.dma_semaphore, #tpu.memory_space<semaphore_mem>>) src(%dma_wait3A_423 : memref<128x32xf32, #tpu.memory_space<hbm>>) dst(%dma_wait3A_420 : memref<128x32xf32, #tpu.memory_space<vmem>>)
      %ge3A_424 = arith.constant 5 : i32
      %ge3A_425 = arith.cmpi sge, %add3A_403, %ge3A_424 : i32
      %convert_element_type3A_426 = arith.extui %ge3A_425 : i1 to i32
      %cond3A_427 = arith.constant 0 : i32
      %cond3A_428 = arith.cmpi ne, %convert_element_type3A_426, %cond3A_427 : i32
      scf.if %cond3A_428 {
        %dma_wait3A_754 = arith.constant 2 : i32
        %dma_wait3A_755 = arith.constant 2 : i32
        %dma_wait3A_756 = arith.constant 0 : i32
        %dma_wait3A_757 = arith.constant 0 : i32
        %dma_wait3A_758 = tpu.memref_slice %arg9[%dma_wait3A_754, %dma_wait3A_756, %dma_wait3A_757] : memref<5x128x32xf32, #tpu.memory_space<vmem>> -> memref<1x128x32xf32, #tpu.memory_space<vmem>>
        %dma_wait3A_759 = tpu.memref_squeeze %dma_wait3A_758 : memref<1x128x32xf32, #tpu.memory_space<vmem>> -> memref<128x32xf32, #tpu.memory_space<vmem>>
        %dma_wait3A_760 = arith.constant 0 : i32
        %dma_wait3A_761 = arith.constant 0 : i32
        %dma_wait3A_762 = tpu.memref_slice %arg3[%dma_wait3A_760, %dma_wait3A_761] : memref<100000x32xf32, #tpu.memory_space<hbm>> -> memref<128x32xf32, #tpu.memory_space<hbm>>
        %dma_wait3A_763 = tpu.memref_slice %arg12[%dma_wait3A_755] : memref<5x!tpu.dma_semaphore, #tpu.memory_space<semaphore_mem>> -> memref<1x!tpu.dma_semaphore, #tpu.memory_space<semaphore_mem>>
        %dma_wait3A_764 = tpu.memref_squeeze %dma_wait3A_763 : memref<1x!tpu.dma_semaphore, #tpu.memory_space<semaphore_mem>> -> memref<!tpu.dma_semaphore, #tpu.memory_space<semaphore_mem>>
        %dma_wait3A_765 = arith.constant 0 : i32
        %dma_wait3A_766 = arith.constant 0 : i32
        %dma_wait3A_767 = tpu.memref_slice %arg9[%dma_wait3A_754, %dma_wait3A_765, %dma_wait3A_766] : memref<5x128x32xf32, #tpu.memory_space<vmem>> -> memref<1x128x32xf32, #tpu.memory_space<vmem>>
        %dma_wait3A_768 = tpu.memref_squeeze %dma_wait3A_767 : memref<1x128x32xf32, #tpu.memory_space<vmem>> -> memref<128x32xf32, #tpu.memory_space<vmem>>
        %dma_wait3A_769 = arith.constant 0 : i32
        %dma_wait3A_770 = arith.constant 0 : i32
        %dma_wait3A_771 = tpu.memref_slice %arg3[%dma_wait3A_769, %dma_wait3A_770] : memref<100000x32xf32, #tpu.memory_space<hbm>> -> memref<128x32xf32, #tpu.memory_space<hbm>>
        tpu.wait_dma2 semaphore(%dma_wait3A_764 : memref<!tpu.dma_semaphore, #tpu.memory_space<semaphore_mem>>) src(%dma_wait3A_771 : memref<128x32xf32, #tpu.memory_space<hbm>>) dst(%dma_wait3A_768 : memref<128x32xf32, #tpu.memory_space<vmem>>)
      } else {
      }
      %dma_start3A_429 = arith.constant 2 : i32
      %dma_start3A_430 = arith.constant 0 : i32
      %dma_start3A_431 = arith.constant 2 : i32
      %dma_start3A_432 = arith.constant 0 : i32
      %dma_start3A_433 = arith.constant 0 : i32
      %dma_start3A_434 = tpu.memref_slice %arg10[%dma_start3A_429, %dma_start3A_432, %dma_start3A_433] : memref<5x32x128xf32, #tpu.memory_space<vmem>> -> memref<1x8x128xf32, #tpu.memory_space<vmem>>
      %dma_start3A_435 = tpu.memref_squeeze %dma_start3A_434 : memref<1x8x128xf32, #tpu.memory_space<vmem>> -> memref<8x128xf32, #tpu.memory_space<vmem>>
      %dma_start3A_436 = arith.constant 0 : i32
      %dma_start3A_437 = arith.constant 0 : i32
      %dma_start3A_438 = tpu.memref_slice %arg5[%add3A_403, %dma_start3A_430, %add3A, %dma_start3A_436, %dma_start3A_437] : memref<200x4x32x8x128xf32, #tpu.memory_space<hbm>> -> memref<1x1x1x8x128xf32, #tpu.memory_space<hbm>>
      %dma_start3A_439 = tpu.memref_squeeze %dma_start3A_438 : memref<1x1x1x8x128xf32, #tpu.memory_space<hbm>> -> memref<8x128xf32, #tpu.memory_space<hbm>>
      %dma_start3A_440 = tpu.memref_slice %arg12[%dma_start3A_431] : memref<5x!tpu.dma_semaphore, #tpu.memory_space<semaphore_mem>> -> memref<1x!tpu.dma_semaphore, #tpu.memory_space<semaphore_mem>>
      %dma_start3A_441 = tpu.memref_squeeze %dma_start3A_440 : memref<1x!tpu.dma_semaphore, #tpu.memory_space<semaphore_mem>> -> memref<!tpu.dma_semaphore, #tpu.memory_space<semaphore_mem>>
      %dma_start3A_442 = arith.constant 0 : i32
      %dma_start3A_443 = arith.constant 0 : i32
      %dma_start3A_444 = tpu.memref_slice %arg5[%add3A_403, %dma_start3A_430, %add3A, %dma_start3A_442, %dma_start3A_443] : memref<200x4x32x8x128xf32, #tpu.memory_space<hbm>> -> memref<1x1x1x8x128xf32, #tpu.memory_space<hbm>>
      %dma_start3A_445 = tpu.memref_squeeze %dma_start3A_444 : memref<1x1x1x8x128xf32, #tpu.memory_space<hbm>> -> memref<8x128xf32, #tpu.memory_space<hbm>>
      %dma_start3A_446 = arith.constant 0 : i32
      %dma_start3A_447 = arith.constant 0 : i32
      %dma_start3A_448 = tpu.memref_slice %arg10[%dma_start3A_429, %dma_start3A_446, %dma_start3A_447] : memref<5x32x128xf32, #tpu.memory_space<vmem>> -> memref<1x8x128xf32, #tpu.memory_space<vmem>>
      %dma_start3A_449 = tpu.memref_squeeze %dma_start3A_448 : memref<1x8x128xf32, #tpu.memory_space<vmem>> -> memref<8x128xf32, #tpu.memory_space<vmem>>
      tpu.enqueue_dma source(%dma_start3A_449 : memref<8x128xf32, #tpu.memory_space<vmem>>) target(%dma_start3A_445 : memref<8x128xf32, #tpu.memory_space<hbm>>) target_semaphore(%dma_start3A_441 : memref<!tpu.dma_semaphore, #tpu.memory_space<semaphore_mem>>)
      %dma_start3A_450 = arith.constant 2 : i32
      %dma_start3A_451 = arith.constant 1 : i32
      %dma_start3A_452 = arith.constant 2 : i32
      %dma_start3A_453 = arith.constant 8 : i32
      %dma_start3A_454 = arith.constant 0 : i32
      %dma_start3A_455 = tpu.memref_slice %arg10[%dma_start3A_450, %dma_start3A_453, %dma_start3A_454] : memref<5x32x128xf32, #tpu.memory_space<vmem>> -> memref<1x8x128xf32, #tpu.memory_space<vmem>>
      %dma_start3A_456 = tpu.memref_squeeze %dma_start3A_455 : memref<1x8x128xf32, #tpu.memory_space<vmem>> -> memref<8x128xf32, #tpu.memory_space<vmem>>
      %dma_start3A_457 = arith.constant 0 : i32
      %dma_start3A_458 = arith.constant 0 : i32
      %dma_start3A_459 = tpu.memref_slice %arg5[%add3A_403, %dma_start3A_451, %add3A, %dma_start3A_457, %dma_start3A_458] : memref<200x4x32x8x128xf32, #tpu.memory_space<hbm>> -> memref<1x1x1x8x128xf32, #tpu.memory_space<hbm>>
      %dma_start3A_460 = tpu.memref_squeeze %dma_start3A_459 : memref<1x1x1x8x128xf32, #tpu.memory_space<hbm>> -> memref<8x128xf32, #tpu.memory_space<hbm>>
      %dma_start3A_461 = tpu.memref_slice %arg12[%dma_start3A_452] : memref<5x!tpu.dma_semaphore, #tpu.memory_space<semaphore_mem>> -> memref<1x!tpu.dma_semaphore, #tpu.memory_space<semaphore_mem>>
      %dma_start3A_462 = tpu.memref_squeeze %dma_start3A_461 : memref<1x!tpu.dma_semaphore, #tpu.memory_space<semaphore_mem>> -> memref<!tpu.dma_semaphore, #tpu.memory_space<semaphore_mem>>
      %dma_start3A_463 = arith.constant 0 : i32
      %dma_start3A_464 = arith.constant 0 : i32
      %dma_start3A_465 = tpu.memref_slice %arg5[%add3A_403, %dma_start3A_451, %add3A, %dma_start3A_463, %dma_start3A_464] : memref<200x4x32x8x128xf32, #tpu.memory_space<hbm>> -> memref<1x1x1x8x128xf32, #tpu.memory_space<hbm>>
      %dma_start3A_466 = tpu.memref_squeeze %dma_start3A_465 : memref<1x1x1x8x128xf32, #tpu.memory_space<hbm>> -> memref<8x128xf32, #tpu.memory_space<hbm>>
      %dma_start3A_467 = arith.constant 8 : i32
      %dma_start3A_468 = arith.constant 0 : i32
      %dma_start3A_469 = tpu.memref_slice %arg10[%dma_start3A_450, %dma_start3A_467, %dma_start3A_468] : memref<5x32x128xf32, #tpu.memory_space<vmem>> -> memref<1x8x128xf32, #tpu.memory_space<vmem>>
      %dma_start3A_470 = tpu.memref_squeeze %dma_start3A_469 : memref<1x8x128xf32, #tpu.memory_space<vmem>> -> memref<8x128xf32, #tpu.memory_space<vmem>>
      tpu.enqueue_dma source(%dma_start3A_470 : memref<8x128xf32, #tpu.memory_space<vmem>>) target(%dma_start3A_466 : memref<8x128xf32, #tpu.memory_space<hbm>>) target_semaphore(%dma_start3A_462 : memref<!tpu.dma_semaphore, #tpu.memory_space<semaphore_mem>>)
      %dma_start3A_471 = arith.constant 2 : i32
      %dma_start3A_472 = arith.constant 2 : i32
      %dma_start3A_473 = arith.constant 2 : i32
      %dma_start3A_474 = arith.constant 16 : i32
      %dma_start3A_475 = arith.constant 0 : i32
      %dma_start3A_476 = tpu.memref_slice %arg10[%dma_start3A_471, %dma_start3A_474, %dma_start3A_475] : memref<5x32x128xf32, #tpu.memory_space<vmem>> -> memref<1x8x128xf32, #tpu.memory_space<vmem>>
      %dma_start3A_477 = tpu.memref_squeeze %dma_start3A_476 : memref<1x8x128xf32, #tpu.memory_space<vmem>> -> memref<8x128xf32, #tpu.memory_space<vmem>>
      %dma_start3A_478 = arith.constant 0 : i32
      %dma_start3A_479 = arith.constant 0 : i32
      %dma_start3A_480 = tpu.memref_slice %arg5[%add3A_403, %dma_start3A_472, %add3A, %dma_start3A_478, %dma_start3A_479] : memref<200x4x32x8x128xf32, #tpu.memory_space<hbm>> -> memref<1x1x1x8x128xf32, #tpu.memory_space<hbm>>
      %dma_start3A_481 = tpu.memref_squeeze %dma_start3A_480 : memref<1x1x1x8x128xf32, #tpu.memory_space<hbm>> -> memref<8x128xf32, #tpu.memory_space<hbm>>
      %dma_start3A_482 = tpu.memref_slice %arg12[%dma_start3A_473] : memref<5x!tpu.dma_semaphore, #tpu.memory_space<semaphore_mem>> -> memref<1x!tpu.dma_semaphore, #tpu.memory_space<semaphore_mem>>
      %dma_start3A_483 = tpu.memref_squeeze %dma_start3A_482 : memref<1x!tpu.dma_semaphore, #tpu.memory_space<semaphore_mem>> -> memref<!tpu.dma_semaphore, #tpu.memory_space<semaphore_mem>>
      %dma_start3A_484 = arith.constant 0 : i32
      %dma_start3A_485 = arith.constant 0 : i32
      %dma_start3A_486 = tpu.memref_slice %arg5[%add3A_403, %dma_start3A_472, %add3A, %dma_start3A_484, %dma_start3A_485] : memref<200x4x32x8x128xf32, #tpu.memory_space<hbm>> -> memref<1x1x1x8x128xf32, #tpu.memory_space<hbm>>
      %dma_start3A_487 = tpu.memref_squeeze %dma_start3A_486 : memref<1x1x1x8x128xf32, #tpu.memory_space<hbm>> -> memref<8x128xf32, #tpu.memory_space<hbm>>
      %dma_start3A_488 = arith.constant 16 : i32
      %dma_start3A_489 = arith.constant 0 : i32
      %dma_start3A_490 = tpu.memref_slice %arg10[%dma_start3A_471, %dma_start3A_488, %dma_start3A_489] : memref<5x32x128xf32, #tpu.memory_space<vmem>> -> memref<1x8x128xf32, #tpu.memory_space<vmem>>
      %dma_start3A_491 = tpu.memref_squeeze %dma_start3A_490 : memref<1x8x128xf32, #tpu.memory_space<vmem>> -> memref<8x128xf32, #tpu.memory_space<vmem>>
      tpu.enqueue_dma source(%dma_start3A_491 : memref<8x128xf32, #tpu.memory_space<vmem>>) target(%dma_start3A_487 : memref<8x128xf32, #tpu.memory_space<hbm>>) target_semaphore(%dma_start3A_483 : memref<!tpu.dma_semaphore, #tpu.memory_space<semaphore_mem>>)
      %dma_start3A_492 = arith.constant 2 : i32
      %dma_start3A_493 = arith.constant 3 : i32
      %dma_start3A_494 = arith.constant 2 : i32
      %dma_start3A_495 = arith.constant 24 : i32
      %dma_start3A_496 = arith.constant 0 : i32
      %dma_start3A_497 = tpu.memref_slice %arg10[%dma_start3A_492, %dma_start3A_495, %dma_start3A_496] : memref<5x32x128xf32, #tpu.memory_space<vmem>> -> memref<1x8x128xf32, #tpu.memory_space<vmem>>
      %dma_start3A_498 = tpu.memref_squeeze %dma_start3A_497 : memref<1x8x128xf32, #tpu.memory_space<vmem>> -> memref<8x128xf32, #tpu.memory_space<vmem>>
      %dma_start3A_499 = arith.constant 0 : i32
      %dma_start3A_500 = arith.constant 0 : i32
      %dma_start3A_501 = tpu.memref_slice %arg5[%add3A_403, %dma_start3A_493, %add3A, %dma_start3A_499, %dma_start3A_500] : memref<200x4x32x8x128xf32, #tpu.memory_space<hbm>> -> memref<1x1x1x8x128xf32, #tpu.memory_space<hbm>>
      %dma_start3A_502 = tpu.memref_squeeze %dma_start3A_501 : memref<1x1x1x8x128xf32, #tpu.memory_space<hbm>> -> memref<8x128xf32, #tpu.memory_space<hbm>>
      %dma_start3A_503 = tpu.memref_slice %arg12[%dma_start3A_494] : memref<5x!tpu.dma_semaphore, #tpu.memory_space<semaphore_mem>> -> memref<1x!tpu.dma_semaphore, #tpu.memory_space<semaphore_mem>>
      %dma_start3A_504 = tpu.memref_squeeze %dma_start3A_503 : memref<1x!tpu.dma_semaphore, #tpu.memory_space<semaphore_mem>> -> memref<!tpu.dma_semaphore, #tpu.memory_space<semaphore_mem>>
      %dma_start3A_505 = arith.constant 0 : i32
      %dma_start3A_506 = arith.constant 0 : i32
      %dma_start3A_507 = tpu.memref_slice %arg5[%add3A_403, %dma_start3A_493, %add3A, %dma_start3A_505, %dma_start3A_506] : memref<200x4x32x8x128xf32, #tpu.memory_space<hbm>> -> memref<1x1x1x8x128xf32, #tpu.memory_space<hbm>>
      %dma_start3A_508 = tpu.memref_squeeze %dma_start3A_507 : memref<1x1x1x8x128xf32, #tpu.memory_space<hbm>> -> memref<8x128xf32, #tpu.memory_space<hbm>>
      %dma_start3A_509 = arith.constant 24 : i32
      %dma_start3A_510 = arith.constant 0 : i32
      %dma_start3A_511 = tpu.memref_slice %arg10[%dma_start3A_492, %dma_start3A_509, %dma_start3A_510] : memref<5x32x128xf32, #tpu.memory_space<vmem>> -> memref<1x8x128xf32, #tpu.memory_space<vmem>>
      %dma_start3A_512 = tpu.memref_squeeze %dma_start3A_511 : memref<1x8x128xf32, #tpu.memory_space<vmem>> -> memref<8x128xf32, #tpu.memory_space<vmem>>
      tpu.enqueue_dma source(%dma_start3A_512 : memref<8x128xf32, #tpu.memory_space<vmem>>) target(%dma_start3A_508 : memref<8x128xf32, #tpu.memory_space<hbm>>) target_semaphore(%dma_start3A_504 : memref<!tpu.dma_semaphore, #tpu.memory_space<semaphore_mem>>)
      %lt3A_513 = arith.constant 200 : i32
      %lt3A_514 = arith.cmpi slt, %add3A_405, %lt3A_513 : i32
      %convert_element_type3A_515 = arith.extui %lt3A_514 : i1 to i32
      %cond3A_516 = arith.constant 0 : i32
      %cond3A_517 = arith.cmpi ne, %convert_element_type3A_515, %cond3A_516 : i32
      scf.if %cond3A_517 {
        %dma_start3A_754 = arith.constant 0 : i32
        %dma_start3A_755 = arith.constant 0 : i32
        %dma_start3A_756 = arith.constant 0 : i32
        %dma_start3A_757 = arith.constant 0 : i32
        %dma_start3A_758 = tpu.memref_slice %arg9[%dma_start3A_754, %dma_start3A_756, %dma_start3A_757] : memref<5x128x32xf32, #tpu.memory_space<vmem>> -> memref<1x128x32xf32, #tpu.memory_space<vmem>>
        %dma_start3A_759 = tpu.memref_squeeze %dma_start3A_758 : memref<1x128x32xf32, #tpu.memory_space<vmem>> -> memref<128x32xf32, #tpu.memory_space<vmem>>
        %dma_start3A_760 = arith.constant 0 : i32
        %dma_start3A_761 = tpu.memref_slice %arg7[%add3A_405, %dma_start3A_760] : memref<200x128xi32, #tpu.memory_space<vmem>> -> memref<1x128xi32, #tpu.memory_space<vmem>>
        %dma_start3A_762 = tpu.memref_squeeze %dma_start3A_761 : memref<1x128xi32, #tpu.memory_space<vmem>> -> memref<128xi32, #tpu.memory_space<vmem>>
        %dma_start3A_763 = arith.constant 0 : i32
        %dma_start3A_764 = arith.constant 0 : i32
        %dma_start3A_765 = tpu.memref_slice %arg3[%dma_start3A_763, %dma_start3A_764] : memref<100000x32xf32, #tpu.memory_space<hbm>> -> memref<100000x32xf32, #tpu.memory_space<hbm>>
        %dma_start3A_766 = tpu.memref_slice %arg11[%dma_start3A_755] : memref<5x!tpu.dma_semaphore, #tpu.memory_space<semaphore_mem>> -> memref<1x!tpu.dma_semaphore, #tpu.memory_space<semaphore_mem>>
        %dma_start3A_767 = tpu.memref_squeeze %dma_start3A_766 : memref<1x!tpu.dma_semaphore, #tpu.memory_space<semaphore_mem>> -> memref<!tpu.dma_semaphore, #tpu.memory_space<semaphore_mem>>
        tpu.enqueue_indirect_dma source(%dma_start3A_765 : memref<100000x32xf32, #tpu.memory_space<hbm>>) target(%dma_start3A_759 : memref<128x32xf32, #tpu.memory_space<vmem>>) offsets(%dma_start3A_762 : memref<128xi32, #tpu.memory_space<vmem>>) semaphore(%dma_start3A_767 : memref<!tpu.dma_semaphore, #tpu.memory_space<semaphore_mem>>)
      } else {
      }
      %mul3A_518 = arith.constant 5 : i32
      %mul3A_519 = arith.muli %scan3A_167, %mul3A_518 : i32
      %add3A_520 = arith.constant 3 : i32
      %add3A_521 = arith.addi %mul3A_519, %add3A_520 : i32
      %add3A_522 = arith.constant 3 : i32
      %add3A_523 = arith.addi %add3A_521, %add3A_522 : i32
      %dma_wait3A_524 = arith.constant 3 : i32
      %dma_wait3A_525 = arith.constant 3 : i32
      %dma_wait3A_526 = arith.constant 0 : i32
      %dma_wait3A_527 = arith.constant 0 : i32
      %dma_wait3A_528 = tpu.memref_slice %arg9[%dma_wait3A_524, %dma_wait3A_526, %dma_wait3A_527] : memref<5x128x32xf32, #tpu.memory_space<vmem>> -> memref<1x128x32xf32, #tpu.memory_space<vmem>>
      %dma_wait3A_529 = tpu.memref_squeeze %dma_wait3A_528 : memref<1x128x32xf32, #tpu.memory_space<vmem>> -> memref<128x32xf32, #tpu.memory_space<vmem>>
      %dma_wait3A_530 = arith.constant 0 : i32
      %dma_wait3A_531 = arith.constant 0 : i32
      %dma_wait3A_532 = tpu.memref_slice %arg3[%dma_wait3A_530, %dma_wait3A_531] : memref<100000x32xf32, #tpu.memory_space<hbm>> -> memref<128x32xf32, #tpu.memory_space<hbm>>
      %dma_wait3A_533 = tpu.memref_slice %arg11[%dma_wait3A_525] : memref<5x!tpu.dma_semaphore, #tpu.memory_space<semaphore_mem>> -> memref<1x!tpu.dma_semaphore, #tpu.memory_space<semaphore_mem>>
      %dma_wait3A_534 = tpu.memref_squeeze %dma_wait3A_533 : memref<1x!tpu.dma_semaphore, #tpu.memory_space<semaphore_mem>> -> memref<!tpu.dma_semaphore, #tpu.memory_space<semaphore_mem>>
      %dma_wait3A_535 = arith.constant 0 : i32
      %dma_wait3A_536 = arith.constant 0 : i32
      %dma_wait3A_537 = tpu.memref_slice %arg9[%dma_wait3A_524, %dma_wait3A_535, %dma_wait3A_536] : memref<5x128x32xf32, #tpu.memory_space<vmem>> -> memref<1x128x32xf32, #tpu.memory_space<vmem>>
      %dma_wait3A_538 = tpu.memref_squeeze %dma_wait3A_537 : memref<1x128x32xf32, #tpu.memory_space<vmem>> -> memref<128x32xf32, #tpu.memory_space<vmem>>
      %dma_wait3A_539 = arith.constant 0 : i32
      %dma_wait3A_540 = arith.constant 0 : i32
      %dma_wait3A_541 = tpu.memref_slice %arg3[%dma_wait3A_539, %dma_wait3A_540] : memref<100000x32xf32, #tpu.memory_space<hbm>> -> memref<128x32xf32, #tpu.memory_space<hbm>>
      tpu.wait_dma2 semaphore(%dma_wait3A_534 : memref<!tpu.dma_semaphore, #tpu.memory_space<semaphore_mem>>) src(%dma_wait3A_541 : memref<128x32xf32, #tpu.memory_space<hbm>>) dst(%dma_wait3A_538 : memref<128x32xf32, #tpu.memory_space<vmem>>)
      %ge3A_542 = arith.constant 5 : i32
      %ge3A_543 = arith.cmpi sge, %add3A_521, %ge3A_542 : i32
      %convert_element_type3A_544 = arith.extui %ge3A_543 : i1 to i32
      %cond3A_545 = arith.constant 0 : i32
      %cond3A_546 = arith.cmpi ne, %convert_element_type3A_544, %cond3A_545 : i32
      scf.if %cond3A_546 {
        %dma_wait3A_754 = arith.constant 3 : i32
        %dma_wait3A_755 = arith.constant 3 : i32
        %dma_wait3A_756 = arith.constant 0 : i32
        %dma_wait3A_757 = arith.constant 0 : i32
        %dma_wait3A_758 = tpu.memref_slice %arg9[%dma_wait3A_754, %dma_wait3A_756, %dma_wait3A_757] : memref<5x128x32xf32, #tpu.memory_space<vmem>> -> memref<1x128x32xf32, #tpu.memory_space<vmem>>
        %dma_wait3A_759 = tpu.memref_squeeze %dma_wait3A_758 : memref<1x128x32xf32, #tpu.memory_space<vmem>> -> memref<128x32xf32, #tpu.memory_space<vmem>>
        %dma_wait3A_760 = arith.constant 0 : i32
        %dma_wait3A_761 = arith.constant 0 : i32
        %dma_wait3A_762 = tpu.memref_slice %arg3[%dma_wait3A_760, %dma_wait3A_761] : memref<100000x32xf32, #tpu.memory_space<hbm>> -> memref<128x32xf32, #tpu.memory_space<hbm>>
        %dma_wait3A_763 = tpu.memref_slice %arg12[%dma_wait3A_755] : memref<5x!tpu.dma_semaphore, #tpu.memory_space<semaphore_mem>> -> memref<1x!tpu.dma_semaphore, #tpu.memory_space<semaphore_mem>>
        %dma_wait3A_764 = tpu.memref_squeeze %dma_wait3A_763 : memref<1x!tpu.dma_semaphore, #tpu.memory_space<semaphore_mem>> -> memref<!tpu.dma_semaphore, #tpu.memory_space<semaphore_mem>>
        %dma_wait3A_765 = arith.constant 0 : i32
        %dma_wait3A_766 = arith.constant 0 : i32
        %dma_wait3A_767 = tpu.memref_slice %arg9[%dma_wait3A_754, %dma_wait3A_765, %dma_wait3A_766] : memref<5x128x32xf32, #tpu.memory_space<vmem>> -> memref<1x128x32xf32, #tpu.memory_space<vmem>>
        %dma_wait3A_768 = tpu.memref_squeeze %dma_wait3A_767 : memref<1x128x32xf32, #tpu.memory_space<vmem>> -> memref<128x32xf32, #tpu.memory_space<vmem>>
        %dma_wait3A_769 = arith.constant 0 : i32
        %dma_wait3A_770 = arith.constant 0 : i32
        %dma_wait3A_771 = tpu.memref_slice %arg3[%dma_wait3A_769, %dma_wait3A_770] : memref<100000x32xf32, #tpu.memory_space<hbm>> -> memref<128x32xf32, #tpu.memory_space<hbm>>
        tpu.wait_dma2 semaphore(%dma_wait3A_764 : memref<!tpu.dma_semaphore, #tpu.memory_space<semaphore_mem>>) src(%dma_wait3A_771 : memref<128x32xf32, #tpu.memory_space<hbm>>) dst(%dma_wait3A_768 : memref<128x32xf32, #tpu.memory_space<vmem>>)
      } else {
      }
      %dma_start3A_547 = arith.constant 3 : i32
      %dma_start3A_548 = arith.constant 0 : i32
      %dma_start3A_549 = arith.constant 3 : i32
      %dma_start3A_550 = arith.constant 0 : i32
      %dma_start3A_551 = arith.constant 0 : i32
      %dma_start3A_552 = tpu.memref_slice %arg10[%dma_start3A_547, %dma_start3A_550, %dma_start3A_551] : memref<5x32x128xf32, #tpu.memory_space<vmem>> -> memref<1x8x128xf32, #tpu.memory_space<vmem>>
      %dma_start3A_553 = tpu.memref_squeeze %dma_start3A_552 : memref<1x8x128xf32, #tpu.memory_space<vmem>> -> memref<8x128xf32, #tpu.memory_space<vmem>>
      %dma_start3A_554 = arith.constant 0 : i32
      %dma_start3A_555 = arith.constant 0 : i32
      %dma_start3A_556 = tpu.memref_slice %arg5[%add3A_521, %dma_start3A_548, %add3A, %dma_start3A_554, %dma_start3A_555] : memref<200x4x32x8x128xf32, #tpu.memory_space<hbm>> -> memref<1x1x1x8x128xf32, #tpu.memory_space<hbm>>
      %dma_start3A_557 = tpu.memref_squeeze %dma_start3A_556 : memref<1x1x1x8x128xf32, #tpu.memory_space<hbm>> -> memref<8x128xf32, #tpu.memory_space<hbm>>
      %dma_start3A_558 = tpu.memref_slice %arg12[%dma_start3A_549] : memref<5x!tpu.dma_semaphore, #tpu.memory_space<semaphore_mem>> -> memref<1x!tpu.dma_semaphore, #tpu.memory_space<semaphore_mem>>
      %dma_start3A_559 = tpu.memref_squeeze %dma_start3A_558 : memref<1x!tpu.dma_semaphore, #tpu.memory_space<semaphore_mem>> -> memref<!tpu.dma_semaphore, #tpu.memory_space<semaphore_mem>>
      %dma_start3A_560 = arith.constant 0 : i32
      %dma_start3A_561 = arith.constant 0 : i32
      %dma_start3A_562 = tpu.memref_slice %arg5[%add3A_521, %dma_start3A_548, %add3A, %dma_start3A_560, %dma_start3A_561] : memref<200x4x32x8x128xf32, #tpu.memory_space<hbm>> -> memref<1x1x1x8x128xf32, #tpu.memory_space<hbm>>
      %dma_start3A_563 = tpu.memref_squeeze %dma_start3A_562 : memref<1x1x1x8x128xf32, #tpu.memory_space<hbm>> -> memref<8x128xf32, #tpu.memory_space<hbm>>
      %dma_start3A_564 = arith.constant 0 : i32
      %dma_start3A_565 = arith.constant 0 : i32
      %dma_start3A_566 = tpu.memref_slice %arg10[%dma_start3A_547, %dma_start3A_564, %dma_start3A_565] : memref<5x32x128xf32, #tpu.memory_space<vmem>> -> memref<1x8x128xf32, #tpu.memory_space<vmem>>
      %dma_start3A_567 = tpu.memref_squeeze %dma_start3A_566 : memref<1x8x128xf32, #tpu.memory_space<vmem>> -> memref<8x128xf32, #tpu.memory_space<vmem>>
      tpu.enqueue_dma source(%dma_start3A_567 : memref<8x128xf32, #tpu.memory_space<vmem>>) target(%dma_start3A_563 : memref<8x128xf32, #tpu.memory_space<hbm>>) target_semaphore(%dma_start3A_559 : memref<!tpu.dma_semaphore, #tpu.memory_space<semaphore_mem>>)
      %dma_start3A_568 = arith.constant 3 : i32
      %dma_start3A_569 = arith.constant 1 : i32
      %dma_start3A_570 = arith.constant 3 : i32
      %dma_start3A_571 = arith.constant 8 : i32
      %dma_start3A_572 = arith.constant 0 : i32
      %dma_start3A_573 = tpu.memref_slice %arg10[%dma_start3A_568, %dma_start3A_571, %dma_start3A_572] : memref<5x32x128xf32, #tpu.memory_space<vmem>> -> memref<1x8x128xf32, #tpu.memory_space<vmem>>
      %dma_start3A_574 = tpu.memref_squeeze %dma_start3A_573 : memref<1x8x128xf32, #tpu.memory_space<vmem>> -> memref<8x128xf32, #tpu.memory_space<vmem>>
      %dma_start3A_575 = arith.constant 0 : i32
      %dma_start3A_576 = arith.constant 0 : i32
      %dma_start3A_577 = tpu.memref_slice %arg5[%add3A_521, %dma_start3A_569, %add3A, %dma_start3A_575, %dma_start3A_576] : memref<200x4x32x8x128xf32, #tpu.memory_space<hbm>> -> memref<1x1x1x8x128xf32, #tpu.memory_space<hbm>>
      %dma_start3A_578 = tpu.memref_squeeze %dma_start3A_577 : memref<1x1x1x8x128xf32, #tpu.memory_space<hbm>> -> memref<8x128xf32, #tpu.memory_space<hbm>>
      %dma_start3A_579 = tpu.memref_slice %arg12[%dma_start3A_570] : memref<5x!tpu.dma_semaphore, #tpu.memory_space<semaphore_mem>> -> memref<1x!tpu.dma_semaphore, #tpu.memory_space<semaphore_mem>>
      %dma_start3A_580 = tpu.memref_squeeze %dma_start3A_579 : memref<1x!tpu.dma_semaphore, #tpu.memory_space<semaphore_mem>> -> memref<!tpu.dma_semaphore, #tpu.memory_space<semaphore_mem>>
      %dma_start3A_581 = arith.constant 0 : i32
      %dma_start3A_582 = arith.constant 0 : i32
      %dma_start3A_583 = tpu.memref_slice %arg5[%add3A_521, %dma_start3A_569, %add3A, %dma_start3A_581, %dma_start3A_582] : memref<200x4x32x8x128xf32, #tpu.memory_space<hbm>> -> memref<1x1x1x8x128xf32, #tpu.memory_space<hbm>>
      %dma_start3A_584 = tpu.memref_squeeze %dma_start3A_583 : memref<1x1x1x8x128xf32, #tpu.memory_space<hbm>> -> memref<8x128xf32, #tpu.memory_space<hbm>>
      %dma_start3A_585 = arith.constant 8 : i32
      %dma_start3A_586 = arith.constant 0 : i32
      %dma_start3A_587 = tpu.memref_slice %arg10[%dma_start3A_568, %dma_start3A_585, %dma_start3A_586] : memref<5x32x128xf32, #tpu.memory_space<vmem>> -> memref<1x8x128xf32, #tpu.memory_space<vmem>>
      %dma_start3A_588 = tpu.memref_squeeze %dma_start3A_587 : memref<1x8x128xf32, #tpu.memory_space<vmem>> -> memref<8x128xf32, #tpu.memory_space<vmem>>
      tpu.enqueue_dma source(%dma_start3A_588 : memref<8x128xf32, #tpu.memory_space<vmem>>) target(%dma_start3A_584 : memref<8x128xf32, #tpu.memory_space<hbm>>) target_semaphore(%dma_start3A_580 : memref<!tpu.dma_semaphore, #tpu.memory_space<semaphore_mem>>)
      %dma_start3A_589 = arith.constant 3 : i32
      %dma_start3A_590 = arith.constant 2 : i32
      %dma_start3A_591 = arith.constant 3 : i32
      %dma_start3A_592 = arith.constant 16 : i32
      %dma_start3A_593 = arith.constant 0 : i32
      %dma_start3A_594 = tpu.memref_slice %arg10[%dma_start3A_589, %dma_start3A_592, %dma_start3A_593] : memref<5x32x128xf32, #tpu.memory_space<vmem>> -> memref<1x8x128xf32, #tpu.memory_space<vmem>>
      %dma_start3A_595 = tpu.memref_squeeze %dma_start3A_594 : memref<1x8x128xf32, #tpu.memory_space<vmem>> -> memref<8x128xf32, #tpu.memory_space<vmem>>
      %dma_start3A_596 = arith.constant 0 : i32
      %dma_start3A_597 = arith.constant 0 : i32
      %dma_start3A_598 = tpu.memref_slice %arg5[%add3A_521, %dma_start3A_590, %add3A, %dma_start3A_596, %dma_start3A_597] : memref<200x4x32x8x128xf32, #tpu.memory_space<hbm>> -> memref<1x1x1x8x128xf32, #tpu.memory_space<hbm>>
      %dma_start3A_599 = tpu.memref_squeeze %dma_start3A_598 : memref<1x1x1x8x128xf32, #tpu.memory_space<hbm>> -> memref<8x128xf32, #tpu.memory_space<hbm>>
      %dma_start3A_600 = tpu.memref_slice %arg12[%dma_start3A_591] : memref<5x!tpu.dma_semaphore, #tpu.memory_space<semaphore_mem>> -> memref<1x!tpu.dma_semaphore, #tpu.memory_space<semaphore_mem>>
      %dma_start3A_601 = tpu.memref_squeeze %dma_start3A_600 : memref<1x!tpu.dma_semaphore, #tpu.memory_space<semaphore_mem>> -> memref<!tpu.dma_semaphore, #tpu.memory_space<semaphore_mem>>
      %dma_start3A_602 = arith.constant 0 : i32
      %dma_start3A_603 = arith.constant 0 : i32
      %dma_start3A_604 = tpu.memref_slice %arg5[%add3A_521, %dma_start3A_590, %add3A, %dma_start3A_602, %dma_start3A_603] : memref<200x4x32x8x128xf32, #tpu.memory_space<hbm>> -> memref<1x1x1x8x128xf32, #tpu.memory_space<hbm>>
      %dma_start3A_605 = tpu.memref_squeeze %dma_start3A_604 : memref<1x1x1x8x128xf32, #tpu.memory_space<hbm>> -> memref<8x128xf32, #tpu.memory_space<hbm>>
      %dma_start3A_606 = arith.constant 16 : i32
      %dma_start3A_607 = arith.constant 0 : i32
      %dma_start3A_608 = tpu.memref_slice %arg10[%dma_start3A_589, %dma_start3A_606, %dma_start3A_607] : memref<5x32x128xf32, #tpu.memory_space<vmem>> -> memref<1x8x128xf32, #tpu.memory_space<vmem>>
      %dma_start3A_609 = tpu.memref_squeeze %dma_start3A_608 : memref<1x8x128xf32, #tpu.memory_space<vmem>> -> memref<8x128xf32, #tpu.memory_space<vmem>>
      tpu.enqueue_dma source(%dma_start3A_609 : memref<8x128xf32, #tpu.memory_space<vmem>>) target(%dma_start3A_605 : memref<8x128xf32, #tpu.memory_space<hbm>>) target_semaphore(%dma_start3A_601 : memref<!tpu.dma_semaphore, #tpu.memory_space<semaphore_mem>>)
      %dma_start3A_610 = arith.constant 3 : i32
      %dma_start3A_611 = arith.constant 3 : i32
      %dma_start3A_612 = arith.constant 3 : i32
      %dma_start3A_613 = arith.constant 24 : i32
      %dma_start3A_614 = arith.constant 0 : i32
      %dma_start3A_615 = tpu.memref_slice %arg10[%dma_start3A_610, %dma_start3A_613, %dma_start3A_614] : memref<5x32x128xf32, #tpu.memory_space<vmem>> -> memref<1x8x128xf32, #tpu.memory_space<vmem>>
      %dma_start3A_616 = tpu.memref_squeeze %dma_start3A_615 : memref<1x8x128xf32, #tpu.memory_space<vmem>> -> memref<8x128xf32, #tpu.memory_space<vmem>>
      %dma_start3A_617 = arith.constant 0 : i32
      %dma_start3A_618 = arith.constant 0 : i32
      %dma_start3A_619 = tpu.memref_slice %arg5[%add3A_521, %dma_start3A_611, %add3A, %dma_start3A_617, %dma_start3A_618] : memref<200x4x32x8x128xf32, #tpu.memory_space<hbm>> -> memref<1x1x1x8x128xf32, #tpu.memory_space<hbm>>
      %dma_start3A_620 = tpu.memref_squeeze %dma_start3A_619 : memref<1x1x1x8x128xf32, #tpu.memory_space<hbm>> -> memref<8x128xf32, #tpu.memory_space<hbm>>
      %dma_start3A_621 = tpu.memref_slice %arg12[%dma_start3A_612] : memref<5x!tpu.dma_semaphore, #tpu.memory_space<semaphore_mem>> -> memref<1x!tpu.dma_semaphore, #tpu.memory_space<semaphore_mem>>
      %dma_start3A_622 = tpu.memref_squeeze %dma_start3A_621 : memref<1x!tpu.dma_semaphore, #tpu.memory_space<semaphore_mem>> -> memref<!tpu.dma_semaphore, #tpu.memory_space<semaphore_mem>>
      %dma_start3A_623 = arith.constant 0 : i32
      %dma_start3A_624 = arith.constant 0 : i32
      %dma_start3A_625 = tpu.memref_slice %arg5[%add3A_521, %dma_start3A_611, %add3A, %dma_start3A_623, %dma_start3A_624] : memref<200x4x32x8x128xf32, #tpu.memory_space<hbm>> -> memref<1x1x1x8x128xf32, #tpu.memory_space<hbm>>
      %dma_start3A_626 = tpu.memref_squeeze %dma_start3A_625 : memref<1x1x1x8x128xf32, #tpu.memory_space<hbm>> -> memref<8x128xf32, #tpu.memory_space<hbm>>
      %dma_start3A_627 = arith.constant 24 : i32
      %dma_start3A_628 = arith.constant 0 : i32
      %dma_start3A_629 = tpu.memref_slice %arg10[%dma_start3A_610, %dma_start3A_627, %dma_start3A_628] : memref<5x32x128xf32, #tpu.memory_space<vmem>> -> memref<1x8x128xf32, #tpu.memory_space<vmem>>
      %dma_start3A_630 = tpu.memref_squeeze %dma_start3A_629 : memref<1x8x128xf32, #tpu.memory_space<vmem>> -> memref<8x128xf32, #tpu.memory_space<vmem>>
      tpu.enqueue_dma source(%dma_start3A_630 : memref<8x128xf32, #tpu.memory_space<vmem>>) target(%dma_start3A_626 : memref<8x128xf32, #tpu.memory_space<hbm>>) target_semaphore(%dma_start3A_622 : memref<!tpu.dma_semaphore, #tpu.memory_space<semaphore_mem>>)
      %lt3A_631 = arith.constant 200 : i32
      %lt3A_632 = arith.cmpi slt, %add3A_523, %lt3A_631 : i32
      %convert_element_type3A_633 = arith.extui %lt3A_632 : i1 to i32
      %cond3A_634 = arith.constant 0 : i32
      %cond3A_635 = arith.cmpi ne, %convert_element_type3A_633, %cond3A_634 : i32
      scf.if %cond3A_635 {
        %dma_start3A_754 = arith.constant 1 : i32
        %dma_start3A_755 = arith.constant 1 : i32
        %dma_start3A_756 = arith.constant 0 : i32
        %dma_start3A_757 = arith.constant 0 : i32
        %dma_start3A_758 = tpu.memref_slice %arg9[%dma_start3A_754, %dma_start3A_756, %dma_start3A_757] : memref<5x128x32xf32, #tpu.memory_space<vmem>> -> memref<1x128x32xf32, #tpu.memory_space<vmem>>
        %dma_start3A_759 = tpu.memref_squeeze %dma_start3A_758 : memref<1x128x32xf32, #tpu.memory_space<vmem>> -> memref<128x32xf32, #tpu.memory_space<vmem>>
        %dma_start3A_760 = arith.constant 0 : i32
        %dma_start3A_761 = tpu.memref_slice %arg7[%add3A_523, %dma_start3A_760] : memref<200x128xi32, #tpu.memory_space<vmem>> -> memref<1x128xi32, #tpu.memory_space<vmem>>
        %dma_start3A_762 = tpu.memref_squeeze %dma_start3A_761 : memref<1x128xi32, #tpu.memory_space<vmem>> -> memref<128xi32, #tpu.memory_space<vmem>>
        %dma_start3A_763 = arith.constant 0 : i32
        %dma_start3A_764 = arith.constant 0 : i32
        %dma_start3A_765 = tpu.memref_slice %arg3[%dma_start3A_763, %dma_start3A_764] : memref<100000x32xf32, #tpu.memory_space<hbm>> -> memref<100000x32xf32, #tpu.memory_space<hbm>>
        %dma_start3A_766 = tpu.memref_slice %arg11[%dma_start3A_755] : memref<5x!tpu.dma_semaphore, #tpu.memory_space<semaphore_mem>> -> memref<1x!tpu.dma_semaphore, #tpu.memory_space<semaphore_mem>>
        %dma_start3A_767 = tpu.memref_squeeze %dma_start3A_766 : memref<1x!tpu.dma_semaphore, #tpu.memory_space<semaphore_mem>> -> memref<!tpu.dma_semaphore, #tpu.memory_space<semaphore_mem>>
        tpu.enqueue_indirect_dma source(%dma_start3A_765 : memref<100000x32xf32, #tpu.memory_space<hbm>>) target(%dma_start3A_759 : memref<128x32xf32, #tpu.memory_space<vmem>>) offsets(%dma_start3A_762 : memref<128xi32, #tpu.memory_space<vmem>>) semaphore(%dma_start3A_767 : memref<!tpu.dma_semaphore, #tpu.memory_space<semaphore_mem>>)
      } else {
      }
      %mul3A_636 = arith.constant 5 : i32
      %mul3A_637 = arith.muli %scan3A_167, %mul3A_636 : i32
      %add3A_638 = arith.constant 4 : i32
      %add3A_639 = arith.addi %mul3A_637, %add3A_638 : i32
      %add3A_640 = arith.constant 3 : i32
      %add3A_641 = arith.addi %add3A_639, %add3A_640 : i32
      %dma_wait3A_642 = arith.constant 4 : i32
      %dma_wait3A_643 = arith.constant 4 : i32
      %dma_wait3A_644 = arith.constant 0 : i32
      %dma_wait3A_645 = arith.constant 0 : i32
      %dma_wait3A_646 = tpu.memref_slice %arg9[%dma_wait3A_642, %dma_wait3A_644, %dma_wait3A_645] : memref<5x128x32xf32, #tpu.memory_space<vmem>> -> memref<1x128x32xf32, #tpu.memory_space<vmem>>
      %dma_wait3A_647 = tpu.memref_squeeze %dma_wait3A_646 : memref<1x128x32xf32, #tpu.memory_space<vmem>> -> memref<128x32xf32, #tpu.memory_space<vmem>>
      %dma_wait3A_648 = arith.constant 0 : i32
      %dma_wait3A_649 = arith.constant 0 : i32
      %dma_wait3A_650 = tpu.memref_slice %arg3[%dma_wait3A_648, %dma_wait3A_649] : memref<100000x32xf32, #tpu.memory_space<hbm>> -> memref<128x32xf32, #tpu.memory_space<hbm>>
      %dma_wait3A_651 = tpu.memref_slice %arg11[%dma_wait3A_643] : memref<5x!tpu.dma_semaphore, #tpu.memory_space<semaphore_mem>> -> memref<1x!tpu.dma_semaphore, #tpu.memory_space<semaphore_mem>>
      %dma_wait3A_652 = tpu.memref_squeeze %dma_wait3A_651 : memref<1x!tpu.dma_semaphore, #tpu.memory_space<semaphore_mem>> -> memref<!tpu.dma_semaphore, #tpu.memory_space<semaphore_mem>>
      %dma_wait3A_653 = arith.constant 0 : i32
      %dma_wait3A_654 = arith.constant 0 : i32
      %dma_wait3A_655 = tpu.memref_slice %arg9[%dma_wait3A_642, %dma_wait3A_653, %dma_wait3A_654] : memref<5x128x32xf32, #tpu.memory_space<vmem>> -> memref<1x128x32xf32, #tpu.memory_space<vmem>>
      %dma_wait3A_656 = tpu.memref_squeeze %dma_wait3A_655 : memref<1x128x32xf32, #tpu.memory_space<vmem>> -> memref<128x32xf32, #tpu.memory_space<vmem>>
      %dma_wait3A_657 = arith.constant 0 : i32
      %dma_wait3A_658 = arith.constant 0 : i32
      %dma_wait3A_659 = tpu.memref_slice %arg3[%dma_wait3A_657, %dma_wait3A_658] : memref<100000x32xf32, #tpu.memory_space<hbm>> -> memref<128x32xf32, #tpu.memory_space<hbm>>
      tpu.wait_dma2 semaphore(%dma_wait3A_652 : memref<!tpu.dma_semaphore, #tpu.memory_space<semaphore_mem>>) src(%dma_wait3A_659 : memref<128x32xf32, #tpu.memory_space<hbm>>) dst(%dma_wait3A_656 : memref<128x32xf32, #tpu.memory_space<vmem>>)
      %ge3A_660 = arith.constant 5 : i32
      %ge3A_661 = arith.cmpi sge, %add3A_639, %ge3A_660 : i32
      %convert_element_type3A_662 = arith.extui %ge3A_661 : i1 to i32
      %cond3A_663 = arith.constant 0 : i32
      %cond3A_664 = arith.cmpi ne, %convert_element_type3A_662, %cond3A_663 : i32
      scf.if %cond3A_664 {
        %dma_wait3A_754 = arith.constant 4 : i32
        %dma_wait3A_755 = arith.constant 4 : i32
        %dma_wait3A_756 = arith.constant 0 : i32
        %dma_wait3A_757 = arith.constant 0 : i32
        %dma_wait3A_758 = tpu.memref_slice %arg9[%dma_wait3A_754, %dma_wait3A_756, %dma_wait3A_757] : memref<5x128x32xf32, #tpu.memory_space<vmem>> -> memref<1x128x32xf32, #tpu.memory_space<vmem>>
        %dma_wait3A_759 = tpu.memref_squeeze %dma_wait3A_758 : memref<1x128x32xf32, #tpu.memory_space<vmem>> -> memref<128x32xf32, #tpu.memory_space<vmem>>
        %dma_wait3A_760 = arith.constant 0 : i32
        %dma_wait3A_761 = arith.constant 0 : i32
        %dma_wait3A_762 = tpu.memref_slice %arg3[%dma_wait3A_760, %dma_wait3A_761] : memref<100000x32xf32, #tpu.memory_space<hbm>> -> memref<128x32xf32, #tpu.memory_space<hbm>>
        %dma_wait3A_763 = tpu.memref_slice %arg12[%dma_wait3A_755] : memref<5x!tpu.dma_semaphore, #tpu.memory_space<semaphore_mem>> -> memref<1x!tpu.dma_semaphore, #tpu.memory_space<semaphore_mem>>
        %dma_wait3A_764 = tpu.memref_squeeze %dma_wait3A_763 : memref<1x!tpu.dma_semaphore, #tpu.memory_space<semaphore_mem>> -> memref<!tpu.dma_semaphore, #tpu.memory_space<semaphore_mem>>
        %dma_wait3A_765 = arith.constant 0 : i32
        %dma_wait3A_766 = arith.constant 0 : i32
        %dma_wait3A_767 = tpu.memref_slice %arg9[%dma_wait3A_754, %dma_wait3A_765, %dma_wait3A_766] : memref<5x128x32xf32, #tpu.memory_space<vmem>> -> memref<1x128x32xf32, #tpu.memory_space<vmem>>
        %dma_wait3A_768 = tpu.memref_squeeze %dma_wait3A_767 : memref<1x128x32xf32, #tpu.memory_space<vmem>> -> memref<128x32xf32, #tpu.memory_space<vmem>>
        %dma_wait3A_769 = arith.constant 0 : i32
        %dma_wait3A_770 = arith.constant 0 : i32
        %dma_wait3A_771 = tpu.memref_slice %arg3[%dma_wait3A_769, %dma_wait3A_770] : memref<100000x32xf32, #tpu.memory_space<hbm>> -> memref<128x32xf32, #tpu.memory_space<hbm>>
        tpu.wait_dma2 semaphore(%dma_wait3A_764 : memref<!tpu.dma_semaphore, #tpu.memory_space<semaphore_mem>>) src(%dma_wait3A_771 : memref<128x32xf32, #tpu.memory_space<hbm>>) dst(%dma_wait3A_768 : memref<128x32xf32, #tpu.memory_space<vmem>>)
      } else {
      }
      %dma_start3A_665 = arith.constant 4 : i32
      %dma_start3A_666 = arith.constant 0 : i32
      %dma_start3A_667 = arith.constant 4 : i32
      %dma_start3A_668 = arith.constant 0 : i32
      %dma_start3A_669 = arith.constant 0 : i32
      %dma_start3A_670 = tpu.memref_slice %arg10[%dma_start3A_665, %dma_start3A_668, %dma_start3A_669] : memref<5x32x128xf32, #tpu.memory_space<vmem>> -> memref<1x8x128xf32, #tpu.memory_space<vmem>>
      %dma_start3A_671 = tpu.memref_squeeze %dma_start3A_670 : memref<1x8x128xf32, #tpu.memory_space<vmem>> -> memref<8x128xf32, #tpu.memory_space<vmem>>
      %dma_start3A_672 = arith.constant 0 : i32
      %dma_start3A_673 = arith.constant 0 : i32
      %dma_start3A_674 = tpu.memref_slice %arg5[%add3A_639, %dma_start3A_666, %add3A, %dma_start3A_672, %dma_start3A_673] : memref<200x4x32x8x128xf32, #tpu.memory_space<hbm>> -> memref<1x1x1x8x128xf32, #tpu.memory_space<hbm>>
      %dma_start3A_675 = tpu.memref_squeeze %dma_start3A_674 : memref<1x1x1x8x128xf32, #tpu.memory_space<hbm>> -> memref<8x128xf32, #tpu.memory_space<hbm>>
      %dma_start3A_676 = tpu.memref_slice %arg12[%dma_start3A_667] : memref<5x!tpu.dma_semaphore, #tpu.memory_space<semaphore_mem>> -> memref<1x!tpu.dma_semaphore, #tpu.memory_space<semaphore_mem>>
      %dma_start3A_677 = tpu.memref_squeeze %dma_start3A_676 : memref<1x!tpu.dma_semaphore, #tpu.memory_space<semaphore_mem>> -> memref<!tpu.dma_semaphore, #tpu.memory_space<semaphore_mem>>
      %dma_start3A_678 = arith.constant 0 : i32
      %dma_start3A_679 = arith.constant 0 : i32
      %dma_start3A_680 = tpu.memref_slice %arg5[%add3A_639, %dma_start3A_666, %add3A, %dma_start3A_678, %dma_start3A_679] : memref<200x4x32x8x128xf32, #tpu.memory_space<hbm>> -> memref<1x1x1x8x128xf32, #tpu.memory_space<hbm>>
      %dma_start3A_681 = tpu.memref_squeeze %dma_start3A_680 : memref<1x1x1x8x128xf32, #tpu.memory_space<hbm>> -> memref<8x128xf32, #tpu.memory_space<hbm>>
      %dma_start3A_682 = arith.constant 0 : i32
      %dma_start3A_683 = arith.constant 0 : i32
      %dma_start3A_684 = tpu.memref_slice %arg10[%dma_start3A_665, %dma_start3A_682, %dma_start3A_683] : memref<5x32x128xf32, #tpu.memory_space<vmem>> -> memref<1x8x128xf32, #tpu.memory_space<vmem>>
      %dma_start3A_685 = tpu.memref_squeeze %dma_start3A_684 : memref<1x8x128xf32, #tpu.memory_space<vmem>> -> memref<8x128xf32, #tpu.memory_space<vmem>>
      tpu.enqueue_dma source(%dma_start3A_685 : memref<8x128xf32, #tpu.memory_space<vmem>>) target(%dma_start3A_681 : memref<8x128xf32, #tpu.memory_space<hbm>>) target_semaphore(%dma_start3A_677 : memref<!tpu.dma_semaphore, #tpu.memory_space<semaphore_mem>>)
      %dma_start3A_686 = arith.constant 4 : i32
      %dma_start3A_687 = arith.constant 1 : i32
      %dma_start3A_688 = arith.constant 4 : i32
      %dma_start3A_689 = arith.constant 8 : i32
      %dma_start3A_690 = arith.constant 0 : i32
      %dma_start3A_691 = tpu.memref_slice %arg10[%dma_start3A_686, %dma_start3A_689, %dma_start3A_690] : memref<5x32x128xf32, #tpu.memory_space<vmem>> -> memref<1x8x128xf32, #tpu.memory_space<vmem>>
      %dma_start3A_692 = tpu.memref_squeeze %dma_start3A_691 : memref<1x8x128xf32, #tpu.memory_space<vmem>> -> memref<8x128xf32, #tpu.memory_space<vmem>>
      %dma_start3A_693 = arith.constant 0 : i32
      %dma_start3A_694 = arith.constant 0 : i32
      %dma_start3A_695 = tpu.memref_slice %arg5[%add3A_639, %dma_start3A_687, %add3A, %dma_start3A_693, %dma_start3A_694] : memref<200x4x32x8x128xf32, #tpu.memory_space<hbm>> -> memref<1x1x1x8x128xf32, #tpu.memory_space<hbm>>
      %dma_start3A_696 = tpu.memref_squeeze %dma_start3A_695 : memref<1x1x1x8x128xf32, #tpu.memory_space<hbm>> -> memref<8x128xf32, #tpu.memory_space<hbm>>
      %dma_start3A_697 = tpu.memref_slice %arg12[%dma_start3A_688] : memref<5x!tpu.dma_semaphore, #tpu.memory_space<semaphore_mem>> -> memref<1x!tpu.dma_semaphore, #tpu.memory_space<semaphore_mem>>
      %dma_start3A_698 = tpu.memref_squeeze %dma_start3A_697 : memref<1x!tpu.dma_semaphore, #tpu.memory_space<semaphore_mem>> -> memref<!tpu.dma_semaphore, #tpu.memory_space<semaphore_mem>>
      %dma_start3A_699 = arith.constant 0 : i32
      %dma_start3A_700 = arith.constant 0 : i32
      %dma_start3A_701 = tpu.memref_slice %arg5[%add3A_639, %dma_start3A_687, %add3A, %dma_start3A_699, %dma_start3A_700] : memref<200x4x32x8x128xf32, #tpu.memory_space<hbm>> -> memref<1x1x1x8x128xf32, #tpu.memory_space<hbm>>
      %dma_start3A_702 = tpu.memref_squeeze %dma_start3A_701 : memref<1x1x1x8x128xf32, #tpu.memory_space<hbm>> -> memref<8x128xf32, #tpu.memory_space<hbm>>
      %dma_start3A_703 = arith.constant 8 : i32
      %dma_start3A_704 = arith.constant 0 : i32
      %dma_start3A_705 = tpu.memref_slice %arg10[%dma_start3A_686, %dma_start3A_703, %dma_start3A_704] : memref<5x32x128xf32, #tpu.memory_space<vmem>> -> memref<1x8x128xf32, #tpu.memory_space<vmem>>
      %dma_start3A_706 = tpu.memref_squeeze %dma_start3A_705 : memref<1x8x128xf32, #tpu.memory_space<vmem>> -> memref<8x128xf32, #tpu.memory_space<vmem>>
      tpu.enqueue_dma source(%dma_start3A_706 : memref<8x128xf32, #tpu.memory_space<vmem>>) target(%dma_start3A_702 : memref<8x128xf32, #tpu.memory_space<hbm>>) target_semaphore(%dma_start3A_698 : memref<!tpu.dma_semaphore, #tpu.memory_space<semaphore_mem>>)
      %dma_start3A_707 = arith.constant 4 : i32
      %dma_start3A_708 = arith.constant 2 : i32
      %dma_start3A_709 = arith.constant 4 : i32
      %dma_start3A_710 = arith.constant 16 : i32
      %dma_start3A_711 = arith.constant 0 : i32
      %dma_start3A_712 = tpu.memref_slice %arg10[%dma_start3A_707, %dma_start3A_710, %dma_start3A_711] : memref<5x32x128xf32, #tpu.memory_space<vmem>> -> memref<1x8x128xf32, #tpu.memory_space<vmem>>
      %dma_start3A_713 = tpu.memref_squeeze %dma_start3A_712 : memref<1x8x128xf32, #tpu.memory_space<vmem>> -> memref<8x128xf32, #tpu.memory_space<vmem>>
      %dma_start3A_714 = arith.constant 0 : i32
      %dma_start3A_715 = arith.constant 0 : i32
      %dma_start3A_716 = tpu.memref_slice %arg5[%add3A_639, %dma_start3A_708, %add3A, %dma_start3A_714, %dma_start3A_715] : memref<200x4x32x8x128xf32, #tpu.memory_space<hbm>> -> memref<1x1x1x8x128xf32, #tpu.memory_space<hbm>>
      %dma_start3A_717 = tpu.memref_squeeze %dma_start3A_716 : memref<1x1x1x8x128xf32, #tpu.memory_space<hbm>> -> memref<8x128xf32, #tpu.memory_space<hbm>>
      %dma_start3A_718 = tpu.memref_slice %arg12[%dma_start3A_709] : memref<5x!tpu.dma_semaphore, #tpu.memory_space<semaphore_mem>> -> memref<1x!tpu.dma_semaphore, #tpu.memory_space<semaphore_mem>>
      %dma_start3A_719 = tpu.memref_squeeze %dma_start3A_718 : memref<1x!tpu.dma_semaphore, #tpu.memory_space<semaphore_mem>> -> memref<!tpu.dma_semaphore, #tpu.memory_space<semaphore_mem>>
      %dma_start3A_720 = arith.constant 0 : i32
      %dma_start3A_721 = arith.constant 0 : i32
      %dma_start3A_722 = tpu.memref_slice %arg5[%add3A_639, %dma_start3A_708, %add3A, %dma_start3A_720, %dma_start3A_721] : memref<200x4x32x8x128xf32, #tpu.memory_space<hbm>> -> memref<1x1x1x8x128xf32, #tpu.memory_space<hbm>>
      %dma_start3A_723 = tpu.memref_squeeze %dma_start3A_722 : memref<1x1x1x8x128xf32, #tpu.memory_space<hbm>> -> memref<8x128xf32, #tpu.memory_space<hbm>>
      %dma_start3A_724 = arith.constant 16 : i32
      %dma_start3A_725 = arith.constant 0 : i32
      %dma_start3A_726 = tpu.memref_slice %arg10[%dma_start3A_707, %dma_start3A_724, %dma_start3A_725] : memref<5x32x128xf32, #tpu.memory_space<vmem>> -> memref<1x8x128xf32, #tpu.memory_space<vmem>>
      %dma_start3A_727 = tpu.memref_squeeze %dma_start3A_726 : memref<1x8x128xf32, #tpu.memory_space<vmem>> -> memref<8x128xf32, #tpu.memory_space<vmem>>
      tpu.enqueue_dma source(%dma_start3A_727 : memref<8x128xf32, #tpu.memory_space<vmem>>) target(%dma_start3A_723 : memref<8x128xf32, #tpu.memory_space<hbm>>) target_semaphore(%dma_start3A_719 : memref<!tpu.dma_semaphore, #tpu.memory_space<semaphore_mem>>)
      %dma_start3A_728 = arith.constant 4 : i32
      %dma_start3A_729 = arith.constant 3 : i32
      %dma_start3A_730 = arith.constant 4 : i32
      %dma_start3A_731 = arith.constant 24 : i32
      %dma_start3A_732 = arith.constant 0 : i32
      %dma_start3A_733 = tpu.memref_slice %arg10[%dma_start3A_728, %dma_start3A_731, %dma_start3A_732] : memref<5x32x128xf32, #tpu.memory_space<vmem>> -> memref<1x8x128xf32, #tpu.memory_space<vmem>>
      %dma_start3A_734 = tpu.memref_squeeze %dma_start3A_733 : memref<1x8x128xf32, #tpu.memory_space<vmem>> -> memref<8x128xf32, #tpu.memory_space<vmem>>
      %dma_start3A_735 = arith.constant 0 : i32
      %dma_start3A_736 = arith.constant 0 : i32
      %dma_start3A_737 = tpu.memref_slice %arg5[%add3A_639, %dma_start3A_729, %add3A, %dma_start3A_735, %dma_start3A_736] : memref<200x4x32x8x128xf32, #tpu.memory_space<hbm>> -> memref<1x1x1x8x128xf32, #tpu.memory_space<hbm>>
      %dma_start3A_738 = tpu.memref_squeeze %dma_start3A_737 : memref<1x1x1x8x128xf32, #tpu.memory_space<hbm>> -> memref<8x128xf32, #tpu.memory_space<hbm>>
      %dma_start3A_739 = tpu.memref_slice %arg12[%dma_start3A_730] : memref<5x!tpu.dma_semaphore, #tpu.memory_space<semaphore_mem>> -> memref<1x!tpu.dma_semaphore, #tpu.memory_space<semaphore_mem>>
      %dma_start3A_740 = tpu.memref_squeeze %dma_start3A_739 : memref<1x!tpu.dma_semaphore, #tpu.memory_space<semaphore_mem>> -> memref<!tpu.dma_semaphore, #tpu.memory_space<semaphore_mem>>
      %dma_start3A_741 = arith.constant 0 : i32
      %dma_start3A_742 = arith.constant 0 : i32
      %dma_start3A_743 = tpu.memref_slice %arg5[%add3A_639, %dma_start3A_729, %add3A, %dma_start3A_741, %dma_start3A_742] : memref<200x4x32x8x128xf32, #tpu.memory_space<hbm>> -> memref<1x1x1x8x128xf32, #tpu.memory_space<hbm>>
      %dma_start3A_744 = tpu.memref_squeeze %dma_start3A_743 : memref<1x1x1x8x128xf32, #tpu.memory_space<hbm>> -> memref<8x128xf32, #tpu.memory_space<hbm>>
      %dma_start3A_745 = arith.constant 24 : i32
      %dma_start3A_746 = arith.constant 0 : i32
      %dma_start3A_747 = tpu.memref_slice %arg10[%dma_start3A_728, %dma_start3A_745, %dma_start3A_746] : memref<5x32x128xf32, #tpu.memory_space<vmem>> -> memref<1x8x128xf32, #tpu.memory_space<vmem>>
      %dma_start3A_748 = tpu.memref_squeeze %dma_start3A_747 : memref<1x8x128xf32, #tpu.memory_space<vmem>> -> memref<8x128xf32, #tpu.memory_space<vmem>>
      tpu.enqueue_dma source(%dma_start3A_748 : memref<8x128xf32, #tpu.memory_space<vmem>>) target(%dma_start3A_744 : memref<8x128xf32, #tpu.memory_space<hbm>>) target_semaphore(%dma_start3A_740 : memref<!tpu.dma_semaphore, #tpu.memory_space<semaphore_mem>>)
      %lt3A_749 = arith.constant 200 : i32
      %lt3A_750 = arith.cmpi slt, %add3A_641, %lt3A_749 : i32
      %convert_element_type3A_751 = arith.extui %lt3A_750 : i1 to i32
      %cond3A_752 = arith.constant 0 : i32
      %cond3A_753 = arith.cmpi ne, %convert_element_type3A_751, %cond3A_752 : i32
      scf.if %cond3A_753 {
        %dma_start3A_754 = arith.constant 2 : i32
        %dma_start3A_755 = arith.constant 2 : i32
        %dma_start3A_756 = arith.constant 0 : i32
        %dma_start3A_757 = arith.constant 0 : i32
        %dma_start3A_758 = tpu.memref_slice %arg9[%dma_start3A_754, %dma_start3A_756, %dma_start3A_757] : memref<5x128x32xf32, #tpu.memory_space<vmem>> -> memref<1x128x32xf32, #tpu.memory_space<vmem>>
        %dma_start3A_759 = tpu.memref_squeeze %dma_start3A_758 : memref<1x128x32xf32, #tpu.memory_space<vmem>> -> memref<128x32xf32, #tpu.memory_space<vmem>>
        %dma_start3A_760 = arith.constant 0 : i32
        %dma_start3A_761 = tpu.memref_slice %arg7[%add3A_641, %dma_start3A_760] : memref<200x128xi32, #tpu.memory_space<vmem>> -> memref<1x128xi32, #tpu.memory_space<vmem>>
        %dma_start3A_762 = tpu.memref_squeeze %dma_start3A_761 : memref<1x128xi32, #tpu.memory_space<vmem>> -> memref<128xi32, #tpu.memory_space<vmem>>
        %dma_start3A_763 = arith.constant 0 : i32
        %dma_start3A_764 = arith.constant 0 : i32
        %dma_start3A_765 = tpu.memref_slice %arg3[%dma_start3A_763, %dma_start3A_764] : memref<100000x32xf32, #tpu.memory_space<hbm>> -> memref<100000x32xf32, #tpu.memory_space<hbm>>
        %dma_start3A_766 = tpu.memref_slice %arg11[%dma_start3A_755] : memref<5x!tpu.dma_semaphore, #tpu.memory_space<semaphore_mem>> -> memref<1x!tpu.dma_semaphore, #tpu.memory_space<semaphore_mem>>
        %dma_start3A_767 = tpu.memref_squeeze %dma_start3A_766 : memref<1x!tpu.dma_semaphore, #tpu.memory_space<semaphore_mem>> -> memref<!tpu.dma_semaphore, #tpu.memory_space<semaphore_mem>>
        tpu.enqueue_indirect_dma source(%dma_start3A_765 : memref<100000x32xf32, #tpu.memory_space<hbm>>) target(%dma_start3A_759 : memref<128x32xf32, #tpu.memory_space<vmem>>) offsets(%dma_start3A_762 : memref<128xi32, #tpu.memory_space<vmem>>) semaphore(%dma_start3A_767 : memref<!tpu.dma_semaphore, #tpu.memory_space<semaphore_mem>>)
      } else {
      }
    }
    %scan3A_77 = arith.constant 40 : i32
    %dma_wait3A = arith.constant 0 : i32
    %dma_wait3A_78 = arith.constant 0 : i32
    %dma_wait3A_79 = arith.constant 0 : i32
    %dma_wait3A_80 = arith.constant 0 : i32
    %dma_wait3A_81 = tpu.memref_slice %arg9[%dma_wait3A, %dma_wait3A_79, %dma_wait3A_80] : memref<5x128x32xf32, #tpu.memory_space<vmem>> -> memref<1x128x32xf32, #tpu.memory_space<vmem>>
    %dma_wait3A_82 = tpu.memref_squeeze %dma_wait3A_81 : memref<1x128x32xf32, #tpu.memory_space<vmem>> -> memref<128x32xf32, #tpu.memory_space<vmem>>
    %dma_wait3A_83 = arith.constant 0 : i32
    %dma_wait3A_84 = arith.constant 0 : i32
    %dma_wait3A_85 = tpu.memref_slice %arg3[%dma_wait3A_83, %dma_wait3A_84] : memref<100000x32xf32, #tpu.memory_space<hbm>> -> memref<128x32xf32, #tpu.memory_space<hbm>>
    %dma_wait3A_86 = tpu.memref_slice %arg12[%dma_wait3A_78] : memref<5x!tpu.dma_semaphore, #tpu.memory_space<semaphore_mem>> -> memref<1x!tpu.dma_semaphore, #tpu.memory_space<semaphore_mem>>
    %dma_wait3A_87 = tpu.memref_squeeze %dma_wait3A_86 : memref<1x!tpu.dma_semaphore, #tpu.memory_space<semaphore_mem>> -> memref<!tpu.dma_semaphore, #tpu.memory_space<semaphore_mem>>
    %dma_wait3A_88 = arith.constant 0 : i32
    %dma_wait3A_89 = arith.constant 0 : i32
    %dma_wait3A_90 = tpu.memref_slice %arg9[%dma_wait3A, %dma_wait3A_88, %dma_wait3A_89] : memref<5x128x32xf32, #tpu.memory_space<vmem>> -> memref<1x128x32xf32, #tpu.memory_space<vmem>>
    %dma_wait3A_91 = tpu.memref_squeeze %dma_wait3A_90 : memref<1x128x32xf32, #tpu.memory_space<vmem>> -> memref<128x32xf32, #tpu.memory_space<vmem>>
    %dma_wait3A_92 = arith.constant 0 : i32
    %dma_wait3A_93 = arith.constant 0 : i32
    %dma_wait3A_94 = tpu.memref_slice %arg3[%dma_wait3A_92, %dma_wait3A_93] : memref<100000x32xf32, #tpu.memory_space<hbm>> -> memref<128x32xf32, #tpu.memory_space<hbm>>
    tpu.wait_dma2 semaphore(%dma_wait3A_87 : memref<!tpu.dma_semaphore, #tpu.memory_space<semaphore_mem>>) src(%dma_wait3A_94 : memref<128x32xf32, #tpu.memory_space<hbm>>) dst(%dma_wait3A_91 : memref<128x32xf32, #tpu.memory_space<vmem>>)
    %dma_wait3A_95 = arith.constant 1 : i32
    %dma_wait3A_96 = arith.constant 1 : i32
    %dma_wait3A_97 = arith.constant 0 : i32
    %dma_wait3A_98 = arith.constant 0 : i32
    %dma_wait3A_99 = tpu.memref_slice %arg9[%dma_wait3A_95, %dma_wait3A_97, %dma_wait3A_98] : memref<5x128x32xf32, #tpu.memory_space<vmem>> -> memref<1x128x32xf32, #tpu.memory_space<vmem>>
    %dma_wait3A_100 = tpu.memref_squeeze %dma_wait3A_99 : memref<1x128x32xf32, #tpu.memory_space<vmem>> -> memref<128x32xf32, #tpu.memory_space<vmem>>
    %dma_wait3A_101 = arith.constant 0 : i32
    %dma_wait3A_102 = arith.constant 0 : i32
    %dma_wait3A_103 = tpu.memref_slice %arg3[%dma_wait3A_101, %dma_wait3A_102] : memref<100000x32xf32, #tpu.memory_space<hbm>> -> memref<128x32xf32, #tpu.memory_space<hbm>>
    %dma_wait3A_104 = tpu.memref_slice %arg12[%dma_wait3A_96] : memref<5x!tpu.dma_semaphore, #tpu.memory_space<semaphore_mem>> -> memref<1x!tpu.dma_semaphore, #tpu.memory_space<semaphore_mem>>
    %dma_wait3A_105 = tpu.memref_squeeze %dma_wait3A_104 : memref<1x!tpu.dma_semaphore, #tpu.memory_space<semaphore_mem>> -> memref<!tpu.dma_semaphore, #tpu.memory_space<semaphore_mem>>
    %dma_wait3A_106 = arith.constant 0 : i32
    %dma_wait3A_107 = arith.constant 0 : i32
    %dma_wait3A_108 = tpu.memref_slice %arg9[%dma_wait3A_95, %dma_wait3A_106, %dma_wait3A_107] : memref<5x128x32xf32, #tpu.memory_space<vmem>> -> memref<1x128x32xf32, #tpu.memory_space<vmem>>
    %dma_wait3A_109 = tpu.memref_squeeze %dma_wait3A_108 : memref<1x128x32xf32, #tpu.memory_space<vmem>> -> memref<128x32xf32, #tpu.memory_space<vmem>>
    %dma_wait3A_110 = arith.constant 0 : i32
    %dma_wait3A_111 = arith.constant 0 : i32
    %dma_wait3A_112 = tpu.memref_slice %arg3[%dma_wait3A_110, %dma_wait3A_111] : memref<100000x32xf32, #tpu.memory_space<hbm>> -> memref<128x32xf32, #tpu.memory_space<hbm>>
    tpu.wait_dma2 semaphore(%dma_wait3A_105 : memref<!tpu.dma_semaphore, #tpu.memory_space<semaphore_mem>>) src(%dma_wait3A_112 : memref<128x32xf32, #tpu.memory_space<hbm>>) dst(%dma_wait3A_109 : memref<128x32xf32, #tpu.memory_space<vmem>>)
    %dma_wait3A_113 = arith.constant 2 : i32
    %dma_wait3A_114 = arith.constant 2 : i32
    %dma_wait3A_115 = arith.constant 0 : i32
    %dma_wait3A_116 = arith.constant 0 : i32
    %dma_wait3A_117 = tpu.memref_slice %arg9[%dma_wait3A_113, %dma_wait3A_115, %dma_wait3A_116] : memref<5x128x32xf32, #tpu.memory_space<vmem>> -> memref<1x128x32xf32, #tpu.memory_space<vmem>>
    %dma_wait3A_118 = tpu.memref_squeeze %dma_wait3A_117 : memref<1x128x32xf32, #tpu.memory_space<vmem>> -> memref<128x32xf32, #tpu.memory_space<vmem>>
    %dma_wait3A_119 = arith.constant 0 : i32
    %dma_wait3A_120 = arith.constant 0 : i32
    %dma_wait3A_121 = tpu.memref_slice %arg3[%dma_wait3A_119, %dma_wait3A_120] : memref<100000x32xf32, #tpu.memory_space<hbm>> -> memref<128x32xf32, #tpu.memory_space<hbm>>
    %dma_wait3A_122 = tpu.memref_slice %arg12[%dma_wait3A_114] : memref<5x!tpu.dma_semaphore, #tpu.memory_space<semaphore_mem>> -> memref<1x!tpu.dma_semaphore, #tpu.memory_space<semaphore_mem>>
    %dma_wait3A_123 = tpu.memref_squeeze %dma_wait3A_122 : memref<1x!tpu.dma_semaphore, #tpu.memory_space<semaphore_mem>> -> memref<!tpu.dma_semaphore, #tpu.memory_space<semaphore_mem>>
    %dma_wait3A_124 = arith.constant 0 : i32
    %dma_wait3A_125 = arith.constant 0 : i32
    %dma_wait3A_126 = tpu.memref_slice %arg9[%dma_wait3A_113, %dma_wait3A_124, %dma_wait3A_125] : memref<5x128x32xf32, #tpu.memory_space<vmem>> -> memref<1x128x32xf32, #tpu.memory_space<vmem>>
    %dma_wait3A_127 = tpu.memref_squeeze %dma_wait3A_126 : memref<1x128x32xf32, #tpu.memory_space<vmem>> -> memref<128x32xf32, #tpu.memory_space<vmem>>
    %dma_wait3A_128 = arith.constant 0 : i32
    %dma_wait3A_129 = arith.constant 0 : i32
    %dma_wait3A_130 = tpu.memref_slice %arg3[%dma_wait3A_128, %dma_wait3A_129] : memref<100000x32xf32, #tpu.memory_space<hbm>> -> memref<128x32xf32, #tpu.memory_space<hbm>>
    tpu.wait_dma2 semaphore(%dma_wait3A_123 : memref<!tpu.dma_semaphore, #tpu.memory_space<semaphore_mem>>) src(%dma_wait3A_130 : memref<128x32xf32, #tpu.memory_space<hbm>>) dst(%dma_wait3A_127 : memref<128x32xf32, #tpu.memory_space<vmem>>)
    %dma_wait3A_131 = arith.constant 3 : i32
    %dma_wait3A_132 = arith.constant 3 : i32
    %dma_wait3A_133 = arith.constant 0 : i32
    %dma_wait3A_134 = arith.constant 0 : i32
    %dma_wait3A_135 = tpu.memref_slice %arg9[%dma_wait3A_131, %dma_wait3A_133, %dma_wait3A_134] : memref<5x128x32xf32, #tpu.memory_space<vmem>> -> memref<1x128x32xf32, #tpu.memory_space<vmem>>
    %dma_wait3A_136 = tpu.memref_squeeze %dma_wait3A_135 : memref<1x128x32xf32, #tpu.memory_space<vmem>> -> memref<128x32xf32, #tpu.memory_space<vmem>>
    %dma_wait3A_137 = arith.constant 0 : i32
    %dma_wait3A_138 = arith.constant 0 : i32
    %dma_wait3A_139 = tpu.memref_slice %arg3[%dma_wait3A_137, %dma_wait3A_138] : memref<100000x32xf32, #tpu.memory_space<hbm>> -> memref<128x32xf32, #tpu.memory_space<hbm>>
    %dma_wait3A_140 = tpu.memref_slice %arg12[%dma_wait3A_132] : memref<5x!tpu.dma_semaphore, #tpu.memory_space<semaphore_mem>> -> memref<1x!tpu.dma_semaphore, #tpu.memory_space<semaphore_mem>>
    %dma_wait3A_141 = tpu.memref_squeeze %dma_wait3A_140 : memref<1x!tpu.dma_semaphore, #tpu.memory_space<semaphore_mem>> -> memref<!tpu.dma_semaphore, #tpu.memory_space<semaphore_mem>>
    %dma_wait3A_142 = arith.constant 0 : i32
    %dma_wait3A_143 = arith.constant 0 : i32
    %dma_wait3A_144 = tpu.memref_slice %arg9[%dma_wait3A_131, %dma_wait3A_142, %dma_wait3A_143] : memref<5x128x32xf32, #tpu.memory_space<vmem>> -> memref<1x128x32xf32, #tpu.memory_space<vmem>>
    %dma_wait3A_145 = tpu.memref_squeeze %dma_wait3A_144 : memref<1x128x32xf32, #tpu.memory_space<vmem>> -> memref<128x32xf32, #tpu.memory_space<vmem>>
    %dma_wait3A_146 = arith.constant 0 : i32
    %dma_wait3A_147 = arith.constant 0 : i32
    %dma_wait3A_148 = tpu.memref_slice %arg3[%dma_wait3A_146, %dma_wait3A_147] : memref<100000x32xf32, #tpu.memory_space<hbm>> -> memref<128x32xf32, #tpu.memory_space<hbm>>
    tpu.wait_dma2 semaphore(%dma_wait3A_141 : memref<!tpu.dma_semaphore, #tpu.memory_space<semaphore_mem>>) src(%dma_wait3A_148 : memref<128x32xf32, #tpu.memory_space<hbm>>) dst(%dma_wait3A_145 : memref<128x32xf32, #tpu.memory_space<vmem>>)
    %dma_wait3A_149 = arith.constant 4 : i32
    %dma_wait3A_150 = arith.constant 4 : i32
    %dma_wait3A_151 = arith.constant 0 : i32
    %dma_wait3A_152 = arith.constant 0 : i32
    %dma_wait3A_153 = tpu.memref_slice %arg9[%dma_wait3A_149, %dma_wait3A_151, %dma_wait3A_152] : memref<5x128x32xf32, #tpu.memory_space<vmem>> -> memref<1x128x32xf32, #tpu.memory_space<vmem>>
    %dma_wait3A_154 = tpu.memref_squeeze %dma_wait3A_153 : memref<1x128x32xf32, #tpu.memory_space<vmem>> -> memref<128x32xf32, #tpu.memory_space<vmem>>
    %dma_wait3A_155 = arith.constant 0 : i32
    %dma_wait3A_156 = arith.constant 0 : i32
    %dma_wait3A_157 = tpu.memref_slice %arg3[%dma_wait3A_155, %dma_wait3A_156] : memref<100000x32xf32, #tpu.memory_space<hbm>> -> memref<128x32xf32, #tpu.memory_space<hbm>>
    %dma_wait3A_158 = tpu.memref_slice %arg12[%dma_wait3A_150] : memref<5x!tpu.dma_semaphore, #tpu.memory_space<semaphore_mem>> -> memref<1x!tpu.dma_semaphore, #tpu.memory_space<semaphore_mem>>
    %dma_wait3A_159 = tpu.memref_squeeze %dma_wait3A_158 : memref<1x!tpu.dma_semaphore, #tpu.memory_space<semaphore_mem>> -> memref<!tpu.dma_semaphore, #tpu.memory_space<semaphore_mem>>
    %dma_wait3A_160 = arith.constant 0 : i32
    %dma_wait3A_161 = arith.constant 0 : i32
    %dma_wait3A_162 = tpu.memref_slice %arg9[%dma_wait3A_149, %dma_wait3A_160, %dma_wait3A_161] : memref<5x128x32xf32, #tpu.memory_space<vmem>> -> memref<1x128x32xf32, #tpu.memory_space<vmem>>
    %dma_wait3A_163 = tpu.memref_squeeze %dma_wait3A_162 : memref<1x128x32xf32, #tpu.memory_space<vmem>> -> memref<128x32xf32, #tpu.memory_space<vmem>>
    %dma_wait3A_164 = arith.constant 0 : i32
    %dma_wait3A_165 = arith.constant 0 : i32
    %dma_wait3A_166 = tpu.memref_slice %arg3[%dma_wait3A_164, %dma_wait3A_165] : memref<100000x32xf32, #tpu.memory_space<hbm>> -> memref<128x32xf32, #tpu.memory_space<hbm>>
    tpu.wait_dma2 semaphore(%dma_wait3A_159 : memref<!tpu.dma_semaphore, #tpu.memory_space<semaphore_mem>>) src(%dma_wait3A_166 : memref<128x32xf32, #tpu.memory_space<hbm>>) dst(%dma_wait3A_163 : memref<128x32xf32, #tpu.memory_space<vmem>>)
    return
  }
}

</mosaic_0001>

<sc_bundles>
// kernel: kernel.3.cloned.1.call-start
scs
__scs_entry_jumppad:
0x0: {  	(pc) =	sbr.rel $0x88, $3  }
0x1: {  	(tag) =	ssettag $0x0;
	lr =	simm.s32 $0x1  }
0x2: {  	[smem:$0x3F9E] =	sst lr;
	_ =	strace $0xD0000000  }
0x3: {  	_ = 	snop  }
0x4: {  	_ = 	snop  }
0x5: {  	_ = 	snop  }
0x6: {  	_ = 	snop  }
0x7: {  	_ = 	snop  }
__scs_overlays_trampoline_lowered:
0x8: {  	[smem:$0x3FAD] =	sst s0  }
0x9: {  	[smem:$0x3FAE] =	sst s1  }
0xa: {  	[smem:$0x3FAF] =	sst s2  }
0xb: {  	[smem:$0x3FB0] =	sst s3  }
0xc: {  	[smem:$0x3FB1] =	sst s4  }
0xd: {  	[smem:$0x3FB2] =	sst s5  }
0xe: {  	[smem:$0x3FB3] =	sst s6  }
0xf: {  	[smem:$0x3FB4] =	sst s7  }
0x10: {  	[smem:$0x3FB5] =	sst s8  }
0x11: {  	[smem:$0x3FB6] =	sst s9;
	s0 =	simm.s32 @!p0 $0x0  }
0x12: {  	s1 =	sld [smem:$0x3F9C];
	s0 =	simm.s32 @p0 $0x1  }
0x13: {  	[smem:$0x3FB7] =	sst s0;
	s0 =	simm.s32 @!p1 $0x0  }
0x14: {  	s2 =	sld [smem:$0x3F9B];
	s0 =	simm.s32 @p1 $0x1  }
0x15: {  	[smem:$0x3FB8] =	sst s0;
	s0 =	simm.s32 @!p2 $0x0  }
0x16: {  	s3 =	sld [smem:$0x3FDB];
	s0 =	simm.s32 @p2 $0x1  }
0x17: {  	s4 =	simm.s32 $0x1BF5;
	[smem:$0x3FBA] =	sst s0  }
0x18: {  	s0 =	sld [smem:$0x3F9D];
	_ =	swait.ge [sflag:s4], $0x0  }
0x19: {  	s7 =	sld [smem:$0x3F9E]  }
0x1a: {  	s8 =	sadd.s32 $0xFFFFE003, lr  }
0x1b: {  	s9 =	sadd.s32 $0xFFFFFEF7, lr;
	s5 =	simm.s32 $0xFFFFFFFF;
	p2 =	slt.u32 s8, $0xFFFFF086  }
0x1c: {  	p1 =	slt.u32 s9, $0xF7A;
	s5 =	simm.s32 @!p2 $0x0  }
0x1d: {  	s5 =	simm.s32 @p1 $0x1;
	p0 =	seq.s32 s7, s2  }
0x1e: {  	s7 =	smul.u32 @!p0 $0xF7A, s2;
	p2 =	seq.s32 @!p0 s5, $0x0  }
0x1f: {  	s9 =	smul.u32 $0xF7A, s1;
	s8 =	simm.s32 @!p0 $0x1BF5;
	p2 =	por !p2, p0  }
0x20: {  	[sflag:s8] =	ssyncset.s32 @!p0 $0xFFFFF086;
	s6 =	sadd.s32 @!p0 s3, s7;
	s7 =	simm.s32 @!p0 $0x108  }
0x21: {  	s3 =	sadd.s32 s3, s9;
	s6 =	sadd.s32 @!p0 $0x88, s6;
	s7 =	simm.s32 @p2 $0x1082  }
0x22: {  	[simem:s7], [sflag:s8] =	dma.local @!p0 [hbm:s6], $0xF7A  }
0x23: {  	s9 =	sor.u32 $0xD0000000, s2;
	s6 =	simm.s32 $0x108;
	_ =	swait.ge @!p0 [sflag:s8], $0x0  }
0x24: {  	s3 =	sadd.s32 $0x88, s3;
	s6 =	simm.s32 @!p1 $0x1082;
	[sflag:s4] =	ssyncset.s32 $0xFFFFF086  }
0x25: {  	[simem:s6], [sflag:s4] =	dma.local [hbm:s3], $0xF7A  }
0x26: {  	[smem:$0x3F9E] =	sst s1;
	(tag) =	ssettag s2;
	_ =	strace s9  }
0x27: {  	s1 =	sld [smem:$0x3FAE]  }
0x28: {  	s2 =	sld [smem:$0x3FAF]  }
0x29: {  	s4 =	sld [smem:$0x3FB1]  }
0x2a: {  	p0 =	seq.s32 s5, $0x0;
	s5 =	sld [smem:$0x3FB2]  }
0x2b: {  	s6 =	sld [smem:$0x3FB3]  }
0x2c: {  	s7 =	sld [smem:$0x3FB4]  }
0x2d: {  	s3 =	simm.s32 $0x108;
	s8 =	sld [smem:$0x3FB5]  }
0x2e: {  	s3 =	simm.s32 @!p0 $0x1082;
	s9 =	sld [smem:$0x3FB6]  }
0x2f: {  	lr =	sadd.s32 s0, s3;
	s0 =	sld [smem:$0x3FAD]  }
0x30: {  	s3 =	sld [smem:$0x3FB0]  }
0x31: {  	[smem:$0x3FB9] =	sst s10  }
0x32: {  	s10 =	sld [smem:$0x3FB7];
	_ =	sdelay $0x3  }
0x33: {  	p0 =	seq.s32 s10, $0x1;
	s10 =	sld [smem:$0x3FB9];
	_ =	sdelay $0x3  }
0x34: {  	[smem:$0x3FB9] =	sst s10  }
0x35: {  	s10 =	sld [smem:$0x3FB8];
	_ =	sdelay $0x3  }
0x36: {  	p1 =	seq.s32 s10, $0x1;
	s10 =	sld [smem:$0x3FB9];
	_ =	sdelay $0x3  }
0x37: {  	[smem:$0x3FB9] =	sst s10  }
0x38: {  	s10 =	sld [smem:$0x3FBA]  }
0x39: {  	_ = 	snop;
	(pc) =	sbr.ind lr, $3  }
0x3a: {  	_ = 	snop  }
0x3b: {  	_ = 	snop  }
0x3c: {  	p2 =	seq.s32 s10, $0x1;
	s10 =	sld [smem:$0x3FB9]  }
0x3d: {  	_ =	shalt  }
0x3e: {  	_ =	shalt  }
0x3f: {  	_ =	shalt  }
0x40: {  	_ =	shalt  }
0x41: {  	_ =	shalt  }
0x42: {  	_ =	shalt  }
0x43: {  	_ =	shalt  }
0x44: {  	_ =	shalt  }
0x45: {  	_ =	shalt  }
0x46: {  	_ =	shalt  }
0x47: {  	_ =	shalt  }
0x48: {  	_ =	shalt  }
0x49: {  	_ =	shalt  }
0x4a: {  	_ =	shalt  }
0x4b: {  	_ =	shalt  }
0x4c: {  	_ =	shalt  }
0x4d: {  	_ =	shalt  }
0x4e: {  	_ =	shalt  }
0x4f: {  	_ =	shalt  }
0x50: {  	_ =	shalt  }
0x51: {  	_ =	shalt  }
0x52: {  	_ =	shalt  }
0x53: {  	_ =	shalt  }
0x54: {  	_ =	shalt  }
0x55: {  	_ =	shalt  }
0x56: {  	_ =	shalt  }
0x57: {  	_ =	shalt  }
0x58: {  	_ =	shalt  }
0x59: {  	_ =	shalt  }
0x5a: {  	_ =	shalt  }
0x5b: {  	_ =	shalt  }
0x5c: {  	_ =	shalt  }
0x5d: {  	_ =	shalt  }
0x5e: {  	_ =	shalt  }
0x5f: {  	_ =	shalt  }
0x60: {  	_ =	shalt  }
0x61: {  	_ =	shalt  }
0x62: {  	_ =	shalt  }
0x63: {  	_ =	shalt  }
0x64: {  	_ =	shalt  }
0x65: {  	_ =	shalt  }
0x66: {  	_ =	shalt  }
0x67: {  	_ =	shalt  }
0x68: {  	_ =	shalt  }
0x69: {  	_ =	shalt  }
0x6a: {  	_ =	shalt  }
0x6b: {  	_ =	shalt  }
0x6c: {  	_ =	shalt  }
0x6d: {  	_ =	shalt  }
0x6e: {  	_ =	shalt  }
0x6f: {  	_ =	shalt  }
0x70: {  	_ =	shalt  }
0x71: {  	_ =	shalt  }
0x72: {  	_ =	shalt  }
0x73: {  	_ =	shalt  }
0x74: {  	_ =	shalt  }
0x75: {  	_ =	shalt  }
0x76: {  	_ =	shalt  }
0x77: {  	_ =	shalt  }
0x78: {  	_ =	shalt  }
0x79: {  	_ =	shalt  }
0x7a: {  	_ =	shalt  }
0x7b: {  	_ =	shalt  }
0x7c: {  	_ =	shalt  }
0x7d: {  	_ =	shalt  }
0x7e: {  	_ =	shalt  }
0x7f: {  	_ =	shalt  }
0x80: {  	_ =	shalt  }
0x81: {  	_ =	shalt  }
0x82: {  	_ =	shalt  }
0x83: {  	_ =	shalt  }
0x84: {  	_ =	shalt  }
0x85: {  	_ =	shalt  }
0x86: {  	_ =	shalt  }
0x87: {  	_ =	shalt  }
.Lfunc_end0:
.L_simem_size_0:
called_computation_lowered:
.L_overlay_start_0:
0x88: {  	s2 =	sld [smem:$0x3FD9]  }
0x89: {  	s3 =	sld [smem:$0x3FFE];
	_ =	sdelay $0x1  }
0x8a: {  	s1 =	srdreg.scid  }
0x8b: {  	s0 =	sand.u32 $0x1, s1  }
0x8c: {  	s17 =	sshll.u32 s0, $0xA;
	s2 =	sadd.s32 s3, s2  }
0x8d: {  	s2 =	sadd.s32 s2, s17  }
0x8e: {  	[smem:$0x3FC5] =	sst s2  }
0x8f: {  	_ = 	snop  }
0x90: {  	s2 =	sld [smem:$0x3FD0];
	(tm) =	ssettm $0x1  }
0x91: {  	s18 =	sld [smem:$0x3FFB];
	_ =	sdelay $0x3  }
0x92: {  	_ =	strace s18  }
0x93: {  	s3 =	sld [smem:$0x3FFC];
	_ =	sdelay $0x3  }
0x94: {  	_ =	strace s3  }
0x95: {  	s3 =	sld [smem:$0x3FFD];
	_ =	sdelay $0x3  }
0x96: {  	_ =	strace s3  }
0x97: {  	_ =	strace $0x8FFFFFFF  }
0x98: {  	s19 =	sld [smem:$0x3FDB];
	_ =	sdelay $0x1  }
0x99: {  	s4 =	simm.s32 $_scs_section_size  }
0x9a: {  	s5 =	simm.s32 $_size__tile_overlayer_lowered;
	s6 =	simm.s32 $_tile_overlayer_lowered  }
0x9b: {  	s22 =	simm.s32 $0x1BFF;
	s21 =	sshll.u32 s6, $0x1;
	s3 =	sadd.s32 s4, s19  }
0x9c: {  	s7 =	simm.s32 $0x0;
	s20 =	sshll.u32 s5, $0x1;
	s5 =	sadd.s32 s21, s3  }
0x9d: {  	[timem:s7], [sflag:s22] =	dma.local [hbm:s5], s20  }
0x9e: {  	_ =	swait.ge [sflag:s22], s20  }
0x9f: {  	s4 =	ssub.s32 $0x0, s20;
	[sflag:s22] =	ssyncset.done $0x0  }
0xa0: {  	[sflag:s22] =	ssyncadd.s32 s4;
	_ =	sdelay $0x1  }
0xa1: {  	s23 =	simm.s32 $0x1B8B  }
0xa2: {  	_ =	swait.ge [sflag:s23], $0x1  }
0xa3: {  	[sflag:s23] =	ssyncset.done $0x0  }
0xa4: {  	s25 =	simm.s32 $0x1B8E;
	s24 =	sld [smem:$0x3FFE];
	[sflag:s23] =	ssyncadd.s32 $0xFFFFFFFF  }
0xa5: {  	s26 =	simm.s32 $execute0_lowered;
	[smem:$0x3FD2] =	sst s25  }
0xa6: {  	s5 =	sshll.u32 s26, $0x1;
	_ =	strace $0x80000046;
	[dreg:$0x1] =	wrdreg $0xFFFFFFFF  }
0xa7: {  	s28 =	simm.s32 $_size_execute0_lowered;
	s3 =	sadd.s32 s3, s5;
	[dreg:$0x0] =	wrdreg $0x0  }
0xa8: {  	s5 =	sshll.u32 s28, $0x1;
	[dreg:$0x2] =	wrdreg s3  }
0xa9: {  	[dreg:$0x3] =	wrdreg s5  }
0xaa: {  	[dreg:$0x4] =	wrdreg $0xC0  }
0xab: {  	_ =	task [dreg:s7], $0x5FFFF  }
0xac: {  	[dreg:$0x1] =	wrdreg $0xFFFFFFFF  }
0xad: {  	[dreg:$0x0] =	wrdreg $0x60  }
0xae: {  	[dreg:$0x2] =	wrdreg s24  }
0xaf: {  	[dreg:$0x3] =	wrdreg s2  }
0xb0: {  	[dreg:$0x4] =	wrdreg $0x9  }
0xb1: {  	_ =	task.clear_ibuf [dreg:s7], $0x5FFFF;
	_ =	strace $0x90000046  }
0xb2: {  	s29 =	simm.s32 $0x9;
	_ =	strace $0x80000048  }
0xb3: {  	_ =	swait.ge [sflag:s29], $0x1  }
0xb4: {  	[sflag:s29] =	ssyncadd.s32 $0xFFFFFFFF  }
0xb5: {  	_ =	strace $0x90000048  }
0xb6: {  	_ =	sfence  }
0xb7: {  	s30 =	sld [smem:$0x0];
	_ =	sdelay $0x2  }
0xb8: {  	s31 =	sshll.u32 s1, $0xD;
	s1 =	sshrl.u32 s1, $0x2  }
0xb9: {  	s3 =	sand.u32 $0x4000, s31;
	s1 =	sadd.s32 s1, s30  }
0xba: {  	s0 =	sor.u32 s3, s0;
	s1 =	sshll.u32 s1, $0x11  }
0xbb: {  	s0 =	sor.u32 s1, s0  }
0xbc: {  	s0 =	sadd.s32 $0x8F2B, s0  }
0xbd: {  	[sflag:s0] =	ssyncadd.remote.s32 $0x1  }
0xbe: {  	_ =	sfence.sel $0xFFFF  }
0xbf: {  	[dreg:$0x0] =	wrdreg $0xFFFFFFFF;
	(pc) =	sbr.abs _section_cstart, $3  }
0xc0: {  	[dreg:$0x1] =	wrdreg $0xFFFFFFFF  }
0xc1: {  	_ =	task.clear_ibuf [dreg:s7], $0x2FFFF;
	_ =	strace $0x9FFFFFFF  }
0xc2: {  	(tm) =	ssettm $0x7FFFFFFF  }
0xc3: {  	_ =	shalt  }
tec
execute0_lowered:
.L_overlay_start_1:
0x0: {  	(tag) =	ssettag $0x1  }
0x1: {  	s0 =	srdreg.scid;
	s1 =	rddreg [dreg:$0x0]  }
0x2: {  	s7 =	stileid.u32;
	s4 =	rddreg [dreg:$0x1];
	s14 =	simm.s32 $0x80  }
0x3: {  	s21 =	simm.s32 $0x1;
	s28 =	simm.s32 $0x2;
	s13 =	simm.s32 $0x3  }
0x4: {  	s12 =	simm.s32 $0x9;
	s16 =	simm.s32 $0x16100;
	s18 =	simm.s32 $0x16500  }
0x5: {  	s19 =	simm.s32 $0x16900;
	s20 =	simm.s32 $0x16D00;
	s29 =	simm.s32 $0x17D00  }
0x6: {  	s0 =	sand.u32 $0x1, s0;
	s2 =	sshll.u32 s7, $0x1;
	s7 =	sshll.u32 s7, $0xB  }
0x7: {  	s3 =	sor.u32 s0, s2;
	s2 =	simm.s32 $0x0;
	s6 =	ssub.s32 $0x2, s0  }
0x8: {  	s0 =	sshll.u32 s0, $0xA;
	s3 =	smul.u32 $0xC80, s3;
	[smem:$0x7FF] =	sst s2  }
0x9: {  	s8 =	sshrl.u32 s6, $0x1;
	s0 =	sor.u32 s0, s7;
	_ =	strace $0x80000047  }
0xa: {  	s22 =	ssub.s32 s6, s8;
	s23 =	sor.u32 $0x40000, s0;
	s25 =	sor.u32 $0x20000, s0  }
0xb: {  	s30 =	sor.u32 $0x80000, s0;
	s31 =	sor.u32 $0x60000, s0;
	s0 =	sshrl.u32 s0, $0x3  }
0xc: {  	s6 =	simm.s32 $0x4;
	s5 =	sadd.s32 s3, s1;
	s3 =	sadd.s32 $0x19A00, s1  }
0xd: {  	s1 =	sadd.s32 $0x600, s1;
	s24 =	sshrl.u32 s23, $0x3;
	s26 =	sshrl.u32 s25, $0x3  }
0xe: {  	s9 =	sadd.s32 s0, s4;
	s23 =	simm.s32 $0xA;
	s25 =	simm.s32 $0x17500  }
0xf: {  	v0 =	vlaneseq.u32;
	[dreg:$0x3] =	wrdreg s1;
	s5 =	sadd.s32 $0xA00, s5;
	s1 =	smax.u32 s22, $0x1  }
.Ltmp0:
0x10: {  	v0 =	vmul.u32 $0xC8, v0;
	s7 =	sadd.s32 s24, s4;
	s8 =	sadd.s32 s26, s4;
	(pc) =	sbr.rel .LBB2_1-.Ltmp0, $4  }
0x11: {  	s22 =	simm.s32 $0x5;
	s24 =	simm.s32 $0x17100;
	[dreg:$0x4] =	wrdreg s5  }
0x12: {  	v1 =	vadd.s32 $0xC80, v0;
	[dreg:$0x5] =	wrdreg s1;
	s1 =	sshrl.u32 s30, $0x3;
	s5 =	sshrl.u32 s31, $0x3  }
0x13: {  	v2 =	vadd.s32 $0x1900, v0;
	v3 =	vadd.s32 $0x2580, v0;
	v4 =	vadd.s32 $0x3200, v0;
	s26 =	simm.s32 $0x17900;
	s10 =	sadd.s32 s1, s4;
	s11 =	sadd.s32 s5, s4  }
0x14: {  	v5 =	vadd.s32 $0x3E80, v0;
	v6 =	vadd.s32 $0x4B00, v0;
	v7 =	vadd.s32 $0x5780, v0;
	s4 =	simm.s32 $0x15900;
	s5 =	simm.s32 $0x15D00;
	s1 =	simm.s32 $0x0  }
.LBB2_14:
0x15: {  	s0 =	simm.s32 $0x6  }
0x16: {  	_ =	swait.ge [sflag:s0], $0x1000  }
0x17: {  	[sflag:s0] =	ssyncset.done $0x0  }
0x18: {  	s17 =	simm.s32 $0x7;
	[sflag:s0] =	ssyncadd.s32 $0xFFFFF000  }
0x19: {  	_ =	swait.ge [sflag:s17], $0x1000  }
0x1a: {  	[sflag:s17] =	ssyncset.done $0x0  }
0x1b: {  	s30 =	simm.s32 $0x8;
	[sflag:s17] =	ssyncadd.s32 $0xFFFFF000  }
0x1c: {  	_ =	swait.ge [sflag:s30], $0x1000  }
0x1d: {  	[sflag:s30] =	ssyncset.done $0x0  }
0x1e: {  	[sflag:s30] =	ssyncadd.s32 $0xFFFFF000  }
0x1f: {  	_ =	swait.ge [sflag:s12], $0x1000  }
0x20: {  	[sflag:s12] =	ssyncset.done $0x0  }
0x21: {  	[sflag:s12] =	ssyncadd.s32 $0xFFFFF000  }
0x22: {  	_ =	swait.ge [sflag:s23], $0x1000  }
0x23: {  	s1 =	rddreg [dreg:$0x6]  }
0x24: {  	s31 =	rddreg [dreg:$0x5];
	s1 =	sadd.s32 $0x1, s1  }
0x25: {  	p0 =	sne.s32 s1, s31  }
.Ltmp1:
0x26: {  	_ = 	snop;
	(pc) =	sbr.rel @!p0 .LBB2_15-.Ltmp1, $3  }
0x27: {  	_ =	sdelay $0x1  }
0x28: {  	[sflag:s23] =	ssyncset.done $0x0  }
0x29: {  	[sflag:s23] =	ssyncadd.s32 $0xFFFFF000  }
.LBB2_1:
0x2a: {  	[dreg:$0x6] =	wrdreg s1  }
0x2b: {  	s0 =	rddreg [dreg:$0x4];
	s1 =	simm.s32 $0x3;
	s15 =	simm.s32 $0xB  }
0x2c: {  	[tilespmem:s2], [sflag:$0xB] =	stream.linear.gather [hbm4b:s0+s2], $0x6400, $0x38;
	[tilespmem:$0x18100] =	vst v63  }
0x2d: {  	s17 =	simm.s32 $0x1;
	v8 =	vmov s1;
	_ =	swait.ge [sflag:s15], $0x6400  }
0x2e: {  	v9 =	vmov s17;
	s17 =	simm.s32 $0x2;
	v14 =	vand.u32 $0xFF, v8;
	[sflag:s15] =	ssyncset.done $0x0  }
0x2f: {  	v16 =	vand.u32 $0xFD, v9;
	v8 =	vmov s17;
	s17 =	simm.s32 $0xC800;
	v9 =	vadd.s32 v0, v14;
	s1 =	rddreg [dreg:$0x3];
	[sflag:s15] =	ssyncadd.s32 $0xFFFF9C00  }
0x30: {  	v10 =	vadd.s32 v0, v16;
	v17 =	vand.u32 $0xFE, v8;
	[tilespmem:s17], [sflag:$0xB] =	stream.linear.gather [hbm4b:s1+s2], $0x1900, $0x38;
	[tilespmem:$0x18100] =	vst v63  }
0x31: {  	v8 =	vmov s2;
	v11 =	vadd.s32 v0, v17;
	_ =	swait.ge [sflag:s15], $0x1900  }
0x32: {  	v13 =	vand.u32 $0xFC, v8;
	[sflag:s15] =	ssyncset.done $0x0  }
0x33: {  	v8 =	vadd.s32 v0, v13;
	[sflag:s15] =	ssyncadd.s32 $0xFFFFE700  }
0x34: {  	v9 =	vld.idx.msk [tilespmem:v9+s2+$0x0], $0xffff  }
0x35: {  	v12 =	vadd.s32 v1, v14;
	v10 =	vld.idx.msk [tilespmem:v10+s2+$0x0], $0xffff  }
0x36: {  	v15 =	vadd.s32 v1, v16;
	v11 =	vld.idx.msk [tilespmem:v11+s2+$0x0], $0xffff  }
0x37: {  	v18 =	vadd.s32 v1, v17  }
0x38: {  	s1 =	simm.s32 $0x6500;
	v8 =	vld.idx.msk [tilespmem:v8+s2+$0x0], $0xffff  }
0x39: {  	v19 =	vadd.s32 v1, v13;
	[tilespmem:s1+$0x80] =	vst v9  }
0x3a: {  	[tilespmem:s1+$0xFFFFFF80] =	vst v10;
	v9 =	vld.idx.msk [tilespmem:v12+s2+$0x0], $0xffff  }
0x3b: {  	[tilespmem:s1+$0x0] =	vst v11;
	v11 =	vadd.s32 v2, v14;
	v10 =	vld.idx.msk [tilespmem:v15+s2+$0x0], $0xffff  }
0x3c: {  	v12 =	vld.idx.msk [tilespmem:v18+s2+$0x0], $0xffff;
	v15 =	vadd.s32 v2, v16  }
0x3d: {  	[tilespmem:s1+$0xFFFFFF00] =	vst v8;
	v8 =	vadd.s32 v2, v17  }
0x3e: {  	v18 =	vld.idx.msk [tilespmem:v19+s2+$0x0], $0xffff  }
0x3f: {  	v19 =	vadd.s32 v2, v13;
	[tilespmem:s1+$0x90] =	vst v9  }
0x40: {  	[tilespmem:s1+$0xFFFFFF90] =	vst v10;
	v10 =	vld.idx.msk [tilespmem:v11+s2+$0x0], $0xffff  }
0x41: {  	s17 =	simm.s32 $0x4;
	[tilespmem:s1+$0x10] =	vst v12;
	v12 =	vadd.s32 v3, v14;
	v11 =	vld.idx.msk [tilespmem:v15+s2+$0x0], $0xffff  }
0x42: {  	v20 =	vadd.s32 v3, v16;
	v9 =	vmov s17;
	v15 =	vld.idx.msk [tilespmem:v8+s2+$0x0], $0xffff  }
0x43: {  	s15 =	simm.s32 $0x5;
	v8 =	vand.u32 $0xFC, v9;
	[tilespmem:s1+$0xFFFFFF10] =	vst v18;
	v18 =	vadd.s32 v3, v17  }
0x44: {  	v9 =	vmov s15;
	v21 =	vadd.s32 v0, v8;
	v19 =	vld.idx.msk [tilespmem:v19+s2+$0x0], $0xffff  }
0x45: {  	v22 =	vadd.s32 v3, v13;
	v9 =	vand.u32 $0xFD, v9;
	[tilespmem:s1+$0xA0] =	vst v10  }
0x46: {  	v10 =	vadd.s32 v0, v9;
	[tilespmem:s1+$0xFFFFFFA0] =	vst v11;
	v11 =	vld.idx.msk [tilespmem:v12+s2+$0x0], $0xffff  }
0x47: {  	s17 =	simm.s32 $0x7;
	[tilespmem:s1+$0x20] =	vst v15;
	v15 =	vadd.s32 v4, v14;
	v20 =	vld.idx.msk [tilespmem:v20+s2+$0x0], $0xffff  }
0x48: {  	v23 =	vadd.s32 v4, v16;
	v18 =	vld.idx.msk [tilespmem:v18+s2+$0x0], $0xffff;
	v12 =	vmov s17  }
0x49: {  	s15 =	simm.s32 $0x6;
	v21 =	vld.idx.msk [tilespmem:v21+s2+$0x0], $0xffff;
	[tilespmem:s1+$0xFFFFFF20] =	vst v19;
	v19 =	vadd.s32 v4, v17;
	v12 =	vand.u32 $0xFF, v12  }
0x4a: {  	v24 =	vmov s15;
	v22 =	vld.idx.msk [tilespmem:v22+s2+$0x0], $0xffff;
	v25 =	vadd.s32 v0, v12  }
0x4b: {  	v26 =	vld.idx.msk [tilespmem:v10+s2+$0x0], $0xffff;
	v10 =	vand.u32 $0xFE, v24;
	v24 =	vadd.s32 v4, v13;
	[tilespmem:s1+$0xB0] =	vst v11  }
0x4c: {  	[tilespmem:s1+$0xFFFFFFB0] =	vst v20;
	v20 =	vadd.s32 v0, v10;
	v15 =	vld.idx.msk [tilespmem:v15+s2+$0x0], $0xffff  }
0x4d: {  	s31 =	simm.s32 $0x8;
	[tilespmem:s1+$0x30] =	vst v18;
	v18 =	vadd.s32 v5, v14;
	v23 =	vld.idx.msk [tilespmem:v23+s2+$0x0], $0xffff  }
0x4e: {  	v27 =	vadd.s32 v5, v16;
	v11 =	vmov s31;
	v19 =	vld.idx.msk [tilespmem:v19+s2+$0x0], $0xffff  }
0x4f: {  	[tilespmem:s1+$0xFFFFFF30] =	vst v22;
	v11 =	vand.u32 $0xFC, v11;
	v22 =	vld.idx.msk [tilespmem:v25+s2+$0x0], $0xffff;
	v25 =	vadd.s32 v5, v17  }
0x50: {  	v28 =	vadd.s32 v0, v11;
	v24 =	vld.idx.msk [tilespmem:v24+s2+$0x0], $0xffff  }
0x51: {  	v29 =	vadd.s32 v1, v12;
	v20 =	vld.idx.msk [tilespmem:v20+s2+$0x0], $0xffff;
	[tilespmem:s1+$0xC0] =	vst v15  }
0x52: {  	v30 =	vadd.s32 v1, v9;
	[tilespmem:s1+$0xFFFFFFC0] =	vst v23;
	v18 =	vld.idx.msk [tilespmem:v18+s2+$0x0], $0xffff  }
0x53: {  	s30 =	simm.s32 $0x6700;
	[tilespmem:s1+$0x40] =	vst v19;
	v27 =	vld.idx.msk [tilespmem:v27+s2+$0x0], $0xffff  }
0x54: {  	[tilespmem:s30+$0xFFFFFF80] =	vst v26;
	v26 =	vadd.s32 v5, v13;
	v19 =	vld.idx.msk [tilespmem:v25+s2+$0x0], $0xffff  }
0x55: {  	v23 =	vadd.s32 v1, v10;
	v15 =	vld.idx.msk [tilespmem:v28+s2+$0x0], $0xffff;
	[tilespmem:s30+$0x80] =	vst v22  }
0x56: {  	v28 =	vadd.s32 v1, v8;
	v22 =	vld.idx.msk [tilespmem:v29+s2+$0x0], $0xffff  }
0x57: {  	[tilespmem:s30+$0xFFFFFF00] =	vst v21;
	v25 =	vadd.s32 v6, v14;
	v29 =	vld.idx.msk [tilespmem:v30+s2+$0x0], $0xffff  }
0x58: {  	v21 =	vadd.s32 v2, v9;
	[tilespmem:s1+$0xFFFFFF40] =	vst v24  }
0x59: {  	[tilespmem:s30+$0x0] =	vst v20;
	v20 =	vadd.s32 v6, v16;
	v24 =	vld.idx.msk [tilespmem:v26+s2+$0x0], $0xffff  }
0x5a: {  	v61 =	vadd.s32 v2, v12;
	v23 =	vld.idx.msk [tilespmem:v23+s2+$0x0], $0xffff;
	[tilespmem:s1+$0xD0] =	vst v18  }
0x5b: {  	v31 =	vadd.s32 v2, v10;
	v28 =	vld.idx.msk [tilespmem:v28+s2+$0x0], $0xffff;
	[tilespmem:s1+$0xFFFFFFD0] =	vst v27  }
0x5c: {  	v26 =	vadd.s32 v2, v8;
	v25 =	vld.idx.msk [tilespmem:v25+s2+$0x0], $0xffff;
	[tilespmem:s30+$0xFFFFFF90] =	vst v29  }
0x5d: {  	v14 =	vadd.s32 v7, v14;
	[tilespmem:s1+$0x50] =	vst v19;
	v27 =	vld.idx.msk [tilespmem:v21+s2+$0x0], $0xffff  }
0x5e: {  	[tilespmem:s30+$0x90] =	vst v22;
	v22 =	vadd.s32 v6, v17;
	v18 =	vld.idx.msk [tilespmem:v20+s2+$0x0], $0xffff  }
0x5f: {  	v20 =	vld.idx.msk [tilespmem:v61+s2+$0x0], $0xffff;
	[tilespmem:s30+$0x10] =	vst v23;
	v23 =	vadd.s32 v6, v13  }
0x60: {  	s17 =	simm.s32 $0x9;
	v62 =	vadd.s32 v3, v12;
	v29 =	vld.idx.msk [tilespmem:v31+s2+$0x0], $0xffff;
	[tilespmem:s30+$0xFFFFFF10] =	vst v28  }
0x61: {  	v21 =	vmov s17;
	[tilespmem:s1+$0xE0] =	vst v25;
	v25 =	vadd.s32 v3, v9;
	v63 =	vld.idx.msk [tilespmem:v26+s2+$0x0], $0xffff  }
0x62: {  	v32 =	vadd.s32 v3, v10;
	[tilespmem:s1+$0xFFFFFF50] =	vst v24;
	v28 =	vld.idx.msk [tilespmem:v14+s2+$0x0], $0xffff;
	v14 =	vand.u32 $0xFD, v21  }
0x63: {  	v21 =	vld.idx.msk [tilespmem:v22+s2+$0x0], $0xffff;
	[tilespmem:s30+$0xFFFFFFA0] =	vst v27;
	v33 =	vadd.s32 v0, v14  }
0x64: {  	v27 =	vadd.s32 v3, v8;
	[tilespmem:s30+$0xA0] =	vst v20;
	v19 =	vld.idx.msk [tilespmem:v23+s2+$0x0], $0xffff  }
0x65: {  	v26 =	vadd.s32 v7, v16;
	v22 =	vld.idx.msk [tilespmem:v62+s2+$0x0], $0xffff  }
0x66: {  	v24 =	vadd.s32 v7, v17;
	[tilespmem:s30+$0x20] =	vst v29;
	v20 =	vld.idx.msk [tilespmem:v25+s2+$0x0], $0xffff  }
0x67: {  	v23 =	vadd.s32 v4, v12;
	v17 =	vld.idx.msk [tilespmem:v32+s2+$0x0], $0xffff;
	[tilespmem:s30+$0xFFFFFF20] =	vst v63  }
0x68: {  	s0 =	simm.s32 $0xC;
	s15 =	simm.s32 $0xB;
	v25 =	vadd.s32 v4, v9;
	[tilespmem:s1+$0xF0] =	vst v28;
	s1 =	simm.s32 $0x6500;
	v16 =	vld.idx.msk [tilespmem:v33+s2+$0x0], $0xffff  }
.LBB2_2:
0x69: {  	p0 =	slt.u32 s0, $0xC4;
	v28 =	vmov s15;
	v27 =	vld.idx.msk [tilespmem:v27+s2+$0x0], $0xffff;
	v29 =	vadd.s32 v4, v10;
	[tilespmem:s1+$0xFFFFFFE0] =	vst v18  }
0x6a: {  	s15 =	sadd.s32 $0x2, s31;
	s31 =	smov.u32 s0;
	v18 =	vand.u32 $0xFF, v28;
	v28 =	vadd.s32 v7, v13;
	v26 =	vld.idx.msk [tilespmem:v26+s2+$0x0], $0xffff;
	[tilespmem:s1+$0x60] =	vst v21;
	v13 =	vmovc v8;
	v8 =	vmov v11  }
0x6b: {  	v11 =	vmov s15;
	v21 =	vadd.s32 v0, v18;
	[tilespmem:s30+$0xB0] =	vst v22;
	v22 =	vld.idx.msk [tilespmem:v24+s2+$0x0], $0xffff  }
0x6c: {  	v30 =	vand.u32 $0xFE, v11;
	v24 =	vadd.s32 v4, v13;
	[tilespmem:s30+$0xFFFFFFB0] =	vst v20;
	v20 =	vld.idx.msk [tilespmem:v23+s2+$0x0], $0xffff  }
0x6d: {  	v23 =	vadd.s32 v0, v30;
	v25 =	vld.idx.msk [tilespmem:v25+s2+$0x0], $0xffff;
	[tilespmem:s30+$0x30] =	vst v17  }
0x6e: {  	v17 =	vld.idx.msk [tilespmem:v29+s2+$0x0], $0xffff;
	v29 =	vadd.s32 v5, v12;
	[tilespmem:s1+$0xFFFFFF60] =	vst v19  }
0x6f: {  	v11 =	vmov s0;
	v19 =	vadd.s32 v5, v9;
	[tilespmem:s30+$0xFFFFFF30] =	vst v27;
	v27 =	vld.idx.msk [tilespmem:v28+s2+$0x0], $0xffff  }
0x70: {  	v11 =	vand.u32 $0xFC, v11;
	v28 =	vadd.s32 v5, v10;
	v21 =	vld.idx.msk [tilespmem:v21+s2+$0x0], $0xffff;
	[tilespmem:s1+$0xFFFFFFF0] =	vst v26  }
0x71: {  	v26 =	vadd.s32 v0, v11;
	v24 =	vld.idx.msk [tilespmem:v24+s2+$0x0], $0xffff;
	[tilespmem:s1+$0x70] =	vst v22  }
0x72: {  	v22 =	vld.idx.msk [tilespmem:v23+s2+$0x0], $0xffff;
	v23 =	vadd.s32 v1, v18;
	[tilespmem:s30+$0xC0] =	vst v20  }
0x73: {  	v20 =	vadd.s32 v1, v14;
	[tilespmem:s30+$0xFFFFFFC0] =	vst v25;
	v25 =	vld.idx.msk [tilespmem:v29+s2+$0x0], $0xffff  }
0x74: {  	v29 =	vadd.s32 v1, v30;
	v19 =	vld.idx.msk [tilespmem:v19+s2+$0x0], $0xffff;
	[tilespmem:s30+$0x40] =	vst v17  }
0x75: {  	v17 =	vld.idx.msk [tilespmem:v28+s2+$0x0], $0xffff;
	v28 =	vadd.s32 v6, v12;
	[tilespmem:s1+$0xFFFFFF70] =	vst v27;
	s1 =	smov.u32 s30;
	s30 =	sadd.s32 $0x200, s30  }
0x76: {  	v27 =	vadd.s32 v1, v8;
	v26 =	vld.idx.msk [tilespmem:v26+s2+$0x0], $0xffff;
	[tilespmem:s30+$0x80] =	vst v21  }
0x77: {  	v21 =	vadd.s32 v5, v13;
	[tilespmem:s30+$0xFFFFFF80] =	vst v16;
	v16 =	vld.idx.msk [tilespmem:v23+s2+$0x0], $0xffff  }
0x78: {  	v20 =	vld.idx.msk [tilespmem:v20+s2+$0x0], $0xffff;
	[tilespmem:s30+$0x0] =	vst v22;
	v22 =	vadd.s32 v6, v9  }
0x79: {  	v23 =	vld.idx.msk [tilespmem:v29+s2+$0x0], $0xffff;
	v29 =	vadd.s32 v2, v18;
	[tilespmem:s1+$0xD0] =	vst v25  }
0x7a: {  	v25 =	vadd.s32 v2, v14;
	[tilespmem:s30+$0xFFFFFF00] =	vst v15;
	v28 =	vld.idx.msk [tilespmem:v28+s2+$0x0], $0xffff  }
0x7b: {  	v31 =	vadd.s32 v2, v30;
	v27 =	vld.idx.msk [tilespmem:v27+s2+$0x0], $0xffff;
	[tilespmem:s1+$0xFFFFFF40] =	vst v24  }
0x7c: {  	v15 =	vmov v26;
	v21 =	vld.idx.msk [tilespmem:v21+s2+$0x0], $0xffff;
	[tilespmem:s1+$0xFFFFFFD0] =	vst v19;
	v19 =	vadd.s32 v7, v12;
	v12 =	vmov v18  }
0x7d: {  	v24 =	vadd.s32 v2, v8;
	[tilespmem:s30+$0x90] =	vst v16;
	v18 =	vld.idx.msk [tilespmem:v22+s2+$0x0], $0xffff  }
0x7e: {  	[tilespmem:s30+$0xFFFFFF90] =	vst v20;
	v16 =	vld.idx.msk [tilespmem:v29+s2+$0x0], $0xffff;
	v20 =	vadd.s32 v6, v10  }
0x7f: {  	v22 =	vld.idx.msk [tilespmem:v25+s2+$0x0], $0xffff;
	[tilespmem:s30+$0x10] =	vst v23;
	v23 =	vadd.s32 v6, v13  }
0x80: {  	s15 =	sadd.s32 $0x1, s0;
	v26 =	vadd.s32 v3, v12;
	v25 =	vld.idx.msk [tilespmem:v31+s2+$0x0], $0xffff;
	[tilespmem:s1+$0xE0] =	vst v28  }
0x81: {  	v29 =	vadd.s32 v3, v14;
	v28 =	vmov s15;
	[tilespmem:s30+$0xFFFFFF10] =	vst v27;
	v31 =	vld.idx.msk [tilespmem:v19+s2+$0x0], $0xffff  }
0x82: {  	v33 =	vadd.s32 v3, v30;
	v28 =	vand.u32 $0xFD, v28;
	v32 =	vld.idx.msk [tilespmem:v24+s2+$0x0], $0xffff;
	[tilespmem:s1+$0x50] =	vst v17  }
0x83: {  	v34 =	vadd.s32 v0, v28;
	[tilespmem:s1+$0xFFFFFF50] =	vst v21;
	v21 =	vld.idx.msk [tilespmem:v20+s2+$0x0], $0xffff  }
.Ltmp2:
0x84: {  	v27 =	vadd.s32 v3, v8;
	[tilespmem:s30+$0xA0] =	vst v16;
	v19 =	vld.idx.msk [tilespmem:v23+s2+$0x0], $0xffff;
	(pc) =	sbr.rel @p0 .LBB2_2-.Ltmp2, $4  }
0x85: {  	[tilespmem:s30+$0xFFFFFFA0] =	vst v22;
	v22 =	vld.idx.msk [tilespmem:v26+s2+$0x0], $0xffff;
	v26 =	vadd.s32 v7, v9;
	v9 =	vmov v14;
	v14 =	vmov v28  }
0x86: {  	v24 =	vadd.s32 v7, v10;
	v10 =	vmov v30;
	v20 =	vld.idx.msk [tilespmem:v29+s2+$0x0], $0xffff;
	[tilespmem:s30+$0x20] =	vst v25  }
0x87: {  	v23 =	vadd.s32 v4, v12;
	v17 =	vld.idx.msk [tilespmem:v33+s2+$0x0], $0xffff;
	[tilespmem:s1+$0xF0] =	vst v31  }
0x88: {  	s0 =	sadd.s32 $0x4, s0;
	s15 =	sadd.s32 $0x3, s31;
	v25 =	vadd.s32 v4, v9;
	v16 =	vld.idx.msk [tilespmem:v34+s2+$0x0], $0xffff;
	[tilespmem:s30+$0xFFFFFF20] =	vst v32  }
0x89: {  	_ =	sdelay $0x1  }
0x8a: {  	[tilespmem:s1+$0xFFFFFFE0] =	vst v18  }
0x8b: {  	[tilespmem:s1+$0x60] =	vst v21  }
0x8c: {  	v28 =	vmov s15;
	v63 =	vld.idx.msk [tilespmem:v27+s2+$0x0], $0xffff;
	s0 =	sadd.s32 $0x2, s31;
	[tilespmem:s1+$0xFFFFFF60] =	vst v19  }
0x8d: {  	v32 =	vadd.s32 v4, v10;
	s17 =	sadd.s32 $0x200, s30;
	v28 =	vand.u32 $0xFF, v28;
	v33 =	vld.idx.msk [tilespmem:v26+s2+$0x0], $0xffff;
	v34 =	vmov s0;
	[tilespmem:s30+$0xB0] =	vst v22  }
0x8e: {  	v35 =	vld.idx.msk [tilespmem:v24+s2+$0x0], $0xffff;
	[tilespmem:s17+$0xFFFFFF00] =	vst v15;
	v29 =	vadd.s32 v0, v28;
	v24 =	vand.u32 $0xFE, v34  }
0x8f: {  	[tilespmem:s30+$0xFFFFFFB0] =	vst v20;
	v37 =	vadd.s32 v0, v24  }
0x90: {  	v13 =	vadd.s32 v7, v13;
	v36 =	vld.idx.msk [tilespmem:v23+s2+$0x0], $0xffff;
	[tilespmem:s30+$0x30] =	vst v17  }
0x91: {  	v44 =	vadd.s32 v1, v14;
	v38 =	vld.idx.msk [tilespmem:v25+s2+$0x0], $0xffff;
	[tilespmem:s17+$0xFFFFFF80] =	vst v16  }
0x92: {  	v46 =	vadd.s32 v1, v11;
	v39 =	vld.idx.msk [tilespmem:v32+s2+$0x0], $0xffff;
	[tilespmem:s30+$0xFFFFFF30] =	vst v63  }
0x93: {  	v40 =	vadd.s32 v5, v12;
	[tilespmem:s1+$0xFFFFFFF0] =	vst v33;
	v41 =	vld.idx.msk [tilespmem:v29+s2+$0x0], $0xffff  }
0x94: {  	v42 =	vadd.s32 v1, v28;
	[tilespmem:s1+$0x70] =	vst v35;
	v43 =	vld.idx.msk [tilespmem:v37+s2+$0x0], $0xffff  }
0x95: {  	v45 =	vadd.s32 v1, v24;
	v13 =	vld.idx.msk [tilespmem:v13+s2+$0x0], $0xffff;
	[tilespmem:s30+$0xC0] =	vst v36  }
0x96: {  	v47 =	vadd.s32 v4, v8;
	v20 =	vld.idx.msk [tilespmem:v44+s2+$0x0], $0xffff;
	[tilespmem:s30+$0xFFFFFFC0] =	vst v38  }
0x97: {  	v48 =	vadd.s32 v5, v9;
	v52 =	vld.idx.msk [tilespmem:v46+s2+$0x0], $0xffff;
	[tilespmem:s30+$0x40] =	vst v39  }
0x98: {  	v51 =	vadd.s32 v2, v14;
	v18 =	vld.idx.msk [tilespmem:v40+s2+$0x0], $0xffff;
	[tilespmem:s17+$0x80] =	vst v41  }
0x99: {  	v55 =	vadd.s32 v2, v11;
	v49 =	vld.idx.msk [tilespmem:v42+s2+$0x0], $0xffff;
	[tilespmem:s17+$0x0] =	vst v43  }
0x9a: {  	v50 =	vadd.s32 v2, v28;
	[tilespmem:s1+$0xFFFFFF70] =	vst v13;
	v17 =	vld.idx.msk [tilespmem:v45+s2+$0x0], $0xffff  }
0x9b: {  	v53 =	vadd.s32 v2, v24;
	v54 =	vld.idx.msk [tilespmem:v47+s2+$0x0], $0xffff;
	[tilespmem:s17+$0xFFFFFF90] =	vst v20  }
0x9c: {  	v58 =	vadd.s32 v5, v10;
	v56 =	vld.idx.msk [tilespmem:v48+s2+$0x0], $0xffff;
	[tilespmem:s17+$0xFFFFFF10] =	vst v52  }
0x9d: {  	v57 =	vadd.s32 v6, v12;
	v15 =	vld.idx.msk [tilespmem:v51+s2+$0x0], $0xffff;
	[tilespmem:s30+$0xD0] =	vst v18  }
0x9e: {  	v61 =	vadd.s32 v3, v14;
	v18 =	vld.idx.msk [tilespmem:v55+s2+$0x0], $0xffff;
	[tilespmem:s17+$0x90] =	vst v49  }
0x9f: {  	v29 =	vadd.s32 v3, v11;
	v59 =	vld.idx.msk [tilespmem:v50+s2+$0x0], $0xffff;
	[tilespmem:s17+$0x10] =	vst v17  }
0xa0: {  	v60 =	vadd.s32 v3, v28;
	[tilespmem:s30+$0xFFFFFF40] =	vst v54;
	v19 =	vld.idx.msk [tilespmem:v53+s2+$0x0], $0xffff  }
0xa1: {  	v62 =	vadd.s32 v3, v24;
	v16 =	vld.idx.msk [tilespmem:v58+s2+$0x0], $0xffff;
	[tilespmem:s30+$0xFFFFFFD0] =	vst v56  }
0xa2: {  	v30 =	vadd.s32 v5, v8;
	v63 =	vld.idx.msk [tilespmem:v57+s2+$0x0], $0xffff;
	[tilespmem:s17+$0xFFFFFFA0] =	vst v15  }
0xa3: {  	v31 =	vadd.s32 v7, v12;
	v13 =	vld.idx.msk [tilespmem:v61+s2+$0x0], $0xffff;
	[tilespmem:s17+$0xFFFFFF20] =	vst v18  }
0xa4: {  	v34 =	vadd.s32 v4, v14;
	v35 =	vld.idx.msk [tilespmem:v29+s2+$0x0], $0xffff;
	[tilespmem:s17+$0xA0] =	vst v59  }
0xa5: {  	v38 =	vadd.s32 v4, v11;
	v32 =	vld.idx.msk [tilespmem:v60+s2+$0x0], $0xffff;
	[tilespmem:s17+$0x20] =	vst v19  }
0xa6: {  	v33 =	vadd.s32 v4, v28;
	[tilespmem:s30+$0x50] =	vst v16;
	v19 =	vld.idx.msk [tilespmem:v62+s2+$0x0], $0xffff  }
0xa7: {  	v36 =	vadd.s32 v4, v24;
	v37 =	vld.idx.msk [tilespmem:v30+s2+$0x0], $0xffff;
	[tilespmem:s30+$0xE0] =	vst v63  }
0xa8: {  	v39 =	vadd.s32 v6, v9;
	v12 =	vld.idx.msk [tilespmem:v31+s2+$0x0], $0xffff;
	[tilespmem:s17+$0xFFFFFFB0] =	vst v13  }
0xa9: {  	v40 =	vadd.s32 v6, v10;
	v42 =	vld.idx.msk [tilespmem:v34+s2+$0x0], $0xffff;
	[tilespmem:s17+$0xFFFFFF30] =	vst v35  }
0xaa: {  	v44 =	vadd.s32 v5, v14;
	v16 =	vld.idx.msk [tilespmem:v38+s2+$0x0], $0xffff;
	[tilespmem:s17+$0xB0] =	vst v32  }
0xab: {  	v47 =	vadd.s32 v5, v11;
	v41 =	vld.idx.msk [tilespmem:v33+s2+$0x0], $0xffff;
	[tilespmem:s17+$0x30] =	vst v19  }
0xac: {  	v43 =	vadd.s32 v5, v28;
	[tilespmem:s30+$0xFFFFFF50] =	vst v37;
	v19 =	vld.idx.msk [tilespmem:v36+s2+$0x0], $0xffff  }
0xad: {  	v45 =	vadd.s32 v5, v24;
	v46 =	vld.idx.msk [tilespmem:v39+s2+$0x0], $0xffff;
	[tilespmem:s30+$0xF0] =	vst v12  }
0xae: {  	v48 =	vadd.s32 v6, v8;
	v15 =	vld.idx.msk [tilespmem:v40+s2+$0x0], $0xffff;
	[tilespmem:s17+$0xFFFFFFC0] =	vst v42  }
0xaf: {  	v49 =	vadd.s32 v7, v9;
	v17 =	vld.idx.msk [tilespmem:v44+s2+$0x0], $0xffff;
	[tilespmem:s17+$0xFFFFFF40] =	vst v16  }
0xb0: {  	v51 =	vadd.s32 v6, v14;
	v12 =	vld.idx.msk [tilespmem:v47+s2+$0x0], $0xffff;
	[tilespmem:s17+$0xC0] =	vst v41  }
0xb1: {  	v54 =	vadd.s32 v6, v11;
	v13 =	vld.idx.msk [tilespmem:v43+s2+$0x0], $0xffff;
	[tilespmem:s17+$0x40] =	vst v19  }
0xb2: {  	v50 =	vadd.s32 v6, v28;
	[tilespmem:s30+$0xFFFFFFE0] =	vst v46;
	v19 =	vld.idx.msk [tilespmem:v45+s2+$0x0], $0xffff  }
0xb3: {  	v52 =	vadd.s32 v6, v24;
	v53 =	vld.idx.msk [tilespmem:v48+s2+$0x0], $0xffff;
	[tilespmem:s30+$0x60] =	vst v15  }
0xb4: {  	v55 =	vadd.s32 v7, v10;
	v9 =	vld.idx.msk [tilespmem:v49+s2+$0x0], $0xffff;
	[tilespmem:s17+$0xFFFFFFD0] =	vst v17  }
0xb5: {  	v8 =	vadd.s32 v7, v8;
	v57 =	vld.idx.msk [tilespmem:v51+s2+$0x0], $0xffff;
	[tilespmem:s17+$0xFFFFFF50] =	vst v12  }
0xb6: {  	v59 =	vadd.s32 v7, v14;
	v15 =	vld.idx.msk [tilespmem:v54+s2+$0x0], $0xffff;
	[tilespmem:s17+$0xD0] =	vst v13  }
0xb7: {  	v61 =	vadd.s32 v7, v11;
	v13 =	vld.idx.msk [tilespmem:v50+s2+$0x0], $0xffff;
	[tilespmem:s17+$0x50] =	vst v19  }
0xb8: {  	v56 =	vadd.s32 v7, v28;
	[tilespmem:s30+$0xFFFFFF60] =	vst v53;
	v58 =	vld.idx.msk [tilespmem:v52+s2+$0x0], $0xffff  }
0xb9: {  	v10 =	vld.idx.msk [tilespmem:v55+s2+$0x0], $0xffff;
	v60 =	vadd.s32 v7, v24;
	[tilespmem:s30+$0xFFFFFFF0] =	vst v9  }
0xba: {  	v8 =	vld.idx.msk [tilespmem:v8+s2+$0x0], $0xffff;
	[tilespmem:s17+$0xFFFFFFE0] =	vst v57  }
0xbb: {  	v63 =	vld.idx.msk [tilespmem:v59+s2+$0x0], $0xffff;
	[tilespmem:s17+$0xFFFFFF60] =	vst v15  }
0xbc: {  	v9 =	vld.idx.msk [tilespmem:v61+s2+$0x0], $0xffff;
	[tilespmem:s17+$0xE0] =	vst v13  }
0xbd: {  	v62 =	vld.idx.msk [tilespmem:v56+s2+$0x0], $0xffff;
	[tilespmem:s17+$0x60] =	vst v58  }
0xbe: {  	[tilespmem:s30+$0x70] =	vst v10;
	v12 =	vld.idx.msk [tilespmem:v60+s2+$0x0], $0xffff  }
0xbf: {  	[tilespmem:s30+$0xFFFFFF70] =	vst v8  }
0xc0: {  	[tilespmem:s17+$0xFFFFFFF0] =	vst v63  }
0xc1: {  	[tilespmem:s17+$0xFFFFFF70] =	vst v9  }
0xc2: {  	[tilespmem:s17+$0xF0] =	vst v62  }
0xc3: {  	s31 =	simm.s32 $0xE100;
	s30 =	simm.s32 $0x6400;
	[tilespmem:s17+$0x70] =	vst v12  }
0xc4: {  	[tilespmem:s31], [sflag:$0x1] =	stream.indirect.gather [hbm4b:s3+s14], $0x20, s30, s14, $0xb8;
	[tilespmem:$0x18100] =	vst v63  }
0xc5: {  	s15 =	simm.s32 $0xF100;
	s0 =	simm.s32 $0x6780;
	s1 =	simm.s32 $0x6480  }
0xc6: {  	[tilespmem:s15], [sflag:$0x2] =	stream.indirect.gather [hbm4b:s3+s14], $0x20, s1, s14, $0xb8;
	[tilespmem:$0x18100] =	vst v63  }
0xc7: {  	s17 =	simm.s32 $0x6500;
	s30 =	simm.s32 $0x10100;
	s1 =	simm.s32 $0x0  }
0xc8: {  	[tilespmem:s30], [sflag:$0x3] =	stream.indirect.gather [hbm4b:s3+s14], $0x20, s17, s14, $0xb8;
	[tilespmem:$0x18100] =	vst v63  }
.LBB2_4:
0xc9: {  	_ =	swait.ge [sflag:s21], $0x1000  }
0xca: {  	p0 =	seq.s32 s1, $0x0;
	[sflag:s21] =	ssyncset.done $0x0  }
0xcb: {  	s15 =	simm.s32 @!p0 $0x6;
	[sflag:s21] =	ssyncadd.s32 $0xFFFFF000  }
0xcc: {  	_ =	swait.ge @!p0 [sflag:s15], $0x1000  }
0xcd: {  	[sflag:s15] =	ssyncset.done @!p0 $0x0  }
0xce: {  	s30 =	simm.s32 $0x13100;
	[sflag:s15] =	ssyncadd.s32 @!p0 $0xFFFFF000;
	s15 =	sadd.s32 s1, s9  }
0xcf: {  	[hbm4b:s15+s2] =	stream.linear.scatter [tilespmem:s30], [sflag:$0x6], $0x400, $0x38;
	[tilespmem:$0x18100] =	vst v63  }
0xd0: {  	s17 =	simm.s32 $0x13500;
	s30 =	sadd.s32 $0x1000, s15  }
0xd1: {  	[hbm4b:s30+s2] =	stream.linear.scatter [tilespmem:s17], [sflag:$0x6], $0x400, $0x38;
	[tilespmem:$0x18100] =	vst v63  }
0xd2: {  	s30 =	sadd.s32 $0x2000, s15;
	s17 =	simm.s32 $0x13900  }
0xd3: {  	[hbm4b:s30+s2] =	stream.linear.scatter [tilespmem:s17], [sflag:$0x6], $0x400, $0x38;
	[tilespmem:$0x18100] =	vst v63  }
0xd4: {  	s15 =	sadd.s32 $0x3000, s15;
	s30 =	simm.s32 $0x13D00  }
0xd5: {  	[hbm4b:s15+s2] =	stream.linear.scatter [tilespmem:s30], [sflag:$0x6], $0x400, $0x38;
	[tilespmem:$0x18100] =	vst v63  }
0xd6: {  	s17 =	sadd.s32 $0xFFFFFE00, s0;
	s30 =	simm.s32 $0x11100  }
0xd7: {  	[tilespmem:s30], [sflag:$0x4] =	stream.indirect.gather [hbm4b:s3+s14], $0x20, s17, s14, $0xb8;
	[tilespmem:$0x18100] =	vst v63  }
0xd8: {  	_ =	swait.ge [sflag:s28], $0x1000  }
0xd9: {  	[sflag:s28] =	ssyncset.done $0x0  }
0xda: {  	s15 =	simm.s32 @!p0 $0x7;
	[sflag:s28] =	ssyncadd.s32 $0xFFFFF000  }
0xdb: {  	_ =	swait.ge @!p0 [sflag:s15], $0x1000  }
0xdc: {  	[sflag:s15] =	ssyncset.done @!p0 $0x0  }
0xdd: {  	s30 =	simm.s32 $0x14100;
	[sflag:s15] =	ssyncadd.s32 @!p0 $0xFFFFF000;
	s15 =	sadd.s32 s1, s8  }
0xde: {  	[hbm4b:s15+s2] =	stream.linear.scatter [tilespmem:s30], [sflag:$0x7], $0x400, $0x38;
	[tilespmem:$0x18100] =	vst v63  }
0xdf: {  	s17 =	simm.s32 $0x14500;
	s30 =	sadd.s32 $0x1000, s15  }
0xe0: {  	[hbm4b:s30+s2] =	stream.linear.scatter [tilespmem:s17], [sflag:$0x7], $0x400, $0x38;
	[tilespmem:$0x18100] =	vst v63  }
0xe1: {  	s30 =	sadd.s32 $0x2000, s15;
	s17 =	simm.s32 $0x14900  }
0xe2: {  	[hbm4b:s30+s2] =	stream.linear.scatter [tilespmem:s17], [sflag:$0x7], $0x400, $0x38;
	[tilespmem:$0x18100] =	vst v63  }
0xe3: {  	s15 =	sadd.s32 $0x3000, s15;
	s30 =	simm.s32 $0x14D00  }
0xe4: {  	[hbm4b:s15+s2] =	stream.linear.scatter [tilespmem:s30], [sflag:$0x7], $0x400, $0x38;
	[tilespmem:$0x18100] =	vst v63  }
0xe5: {  	s17 =	sadd.s32 $0xFFFFFE80, s0;
	s30 =	simm.s32 $0x12100  }
0xe6: {  	[tilespmem:s30], [sflag:$0x5] =	stream.indirect.gather [hbm4b:s3+s14], $0x20, s17, s14, $0xb8;
	[tilespmem:$0x18100] =	vst v63  }
0xe7: {  	_ =	swait.ge [sflag:s13], $0x1000  }
0xe8: {  	[sflag:s13] =	ssyncset.done $0x0  }
0xe9: {  	s15 =	simm.s32 @!p0 $0x8;
	[sflag:s13] =	ssyncadd.s32 $0xFFFFF000  }
0xea: {  	_ =	swait.ge @!p0 [sflag:s15], $0x1000  }
0xeb: {  	[sflag:s15] =	ssyncset.done @!p0 $0x0  }
0xec: {  	s30 =	simm.s32 $0x15100;
	[sflag:s15] =	ssyncadd.s32 @!p0 $0xFFFFF000;
	s15 =	sadd.s32 s1, s7  }
0xed: {  	[hbm4b:s15+s2] =	stream.linear.scatter [tilespmem:s30], [sflag:$0x8], $0x400, $0x38;
	[tilespmem:$0x18100] =	vst v63  }
0xee: {  	p1 =	sne.s32 s1, $0x30C000;
	s17 =	simm.s32 $0x15500;
	s30 =	sadd.s32 $0x1000, s15  }
0xef: {  	[hbm4b:s30+s2] =	stream.linear.scatter [tilespmem:s17], [sflag:$0x8], $0x400, $0x38;
	[tilespmem:$0x18100] =	vst v63  }
.Ltmp3:
0xf0: {  	_ = 	snop;
	(pc) =	sbr.rel @p1 .LBB2_6-.Ltmp3, $4  }
0xf1: {  	s17 =	sadd.s32 $0x2000, s15  }
0xf2: {  	[hbm4b:s17+s2] =	stream.linear.scatter [tilespmem:s4], [sflag:$0x8], $0x400, $0x38;
	[tilespmem:$0x18100] =	vst v63  }
0xf3: {  	s15 =	sadd.s32 $0x3000, s15  }
0xf4: {  	[hbm4b:s15+s2] =	stream.linear.scatter [tilespmem:s5], [sflag:$0x8], $0x400, $0x38;
	[tilespmem:$0x18100] =	vst v63  }
.Ltmp4:
0xf5: {  	(pc) =	sbr.rel .LBB2_7-.Ltmp4, $4  }
0xf6: {  	_ = 	snop  }
0xf7: {  	_ =	swait.ge [sflag:s6], $0x1000  }
0xf8: {  	[sflag:s6] =	ssyncset.done $0x0  }
0xf9: {  	[sflag:s6] =	ssyncadd.s32 $0xFFFFF000  }
.LBB2_6:
.Ltmp5:
0xfa: {  	s15 =	sadd.s32 $0xFFFFFF00, s0;
	(pc) =	sbr.rel @p0 .LBB2_8-.Ltmp5, $4  }
0xfb: {  	[tilespmem:s31], [sflag:$0x1] =	stream.indirect.gather [hbm4b:s3+s14], $0x20, s15, s14, $0xb8;
	[tilespmem:$0x18100] =	vst v63  }
0xfc: {  	_ =	swait.ge [sflag:s6], $0x1000  }
0xfd: {  	[sflag:s6] =	ssyncset.done $0x0  }
0xfe: {  	[sflag:s6] =	ssyncadd.s32 $0xFFFFF000  }
.LBB2_7:
0xff: {  	_ =	swait.ge [sflag:s12], $0x1000  }
0x100: {  	[sflag:s12] =	ssyncset.done $0x0  }
0x101: {  	[sflag:s12] =	ssyncadd.s32 $0xFFFFF000  }
.LBB2_8:
0x102: {  	s15 =	sadd.s32 s1, s11  }
0x103: {  	[hbm4b:s15+s2] =	stream.linear.scatter [tilespmem:s16], [sflag:$0x9], $0x400, $0x38;
	[tilespmem:$0x18100] =	vst v63  }
0x104: {  	s30 =	sadd.s32 $0x1000, s15  }
0x105: {  	[hbm4b:s30+s2] =	stream.linear.scatter [tilespmem:s18], [sflag:$0x9], $0x400, $0x38;
	[tilespmem:$0x18100] =	vst v63  }
.Ltmp6:
0x106: {  	_ = 	snop;
	(pc) =	sbr.rel @p1 .LBB2_10-.Ltmp6, $4  }
0x107: {  	s17 =	sadd.s32 $0x2000, s15  }
0x108: {  	[hbm4b:s17+s2] =	stream.linear.scatter [tilespmem:s19], [sflag:$0x9], $0x400, $0x38;
	[tilespmem:$0x18100] =	vst v63  }
0x109: {  	s15 =	sadd.s32 $0x3000, s15  }
0x10a: {  	[hbm4b:s15+s2] =	stream.linear.scatter [tilespmem:s20], [sflag:$0x9], $0x400, $0x38;
	[tilespmem:$0x18100] =	vst v63  }
.Ltmp7:
0x10b: {  	(pc) =	sbr.rel .LBB2_11-.Ltmp7, $4  }
0x10c: {  	_ = 	snop  }
0x10d: {  	_ =	swait.ge [sflag:s22], $0x1000  }
0x10e: {  	[sflag:s22] =	ssyncset.done $0x0  }
0x10f: {  	[sflag:s22] =	ssyncadd.s32 $0xFFFFF000  }
.LBB2_10:
.Ltmp8:
0x110: {  	s15 =	sadd.s32 $0xFFFFFF80, s0;
	s30 =	simm.s32 $0xF100;
	(pc) =	sbr.rel @p0 .LBB2_12-.Ltmp8, $4  }
0x111: {  	[tilespmem:s30], [sflag:$0x2] =	stream.indirect.gather [hbm4b:s3+s14], $0x20, s15, s14, $0xb8;
	[tilespmem:$0x18100] =	vst v63  }
0x112: {  	_ =	swait.ge [sflag:s22], $0x1000  }
0x113: {  	[sflag:s22] =	ssyncset.done $0x0  }
0x114: {  	[sflag:s22] =	ssyncadd.s32 $0xFFFFF000  }
.LBB2_11:
0x115: {  	_ =	swait.ge [sflag:s23], $0x1000  }
0x116: {  	[sflag:s23] =	ssyncset.done $0x0  }
0x117: {  	[sflag:s23] =	ssyncadd.s32 $0xFFFFF000  }
.LBB2_12:
0x118: {  	s15 =	sadd.s32 s1, s10  }
0x119: {  	[hbm4b:s15+s2] =	stream.linear.scatter [tilespmem:s24], [sflag:$0xA], $0x400, $0x38;
	[tilespmem:$0x18100] =	vst v63  }
0x11a: {  	p0 =	seq.s32 s1, $0x30C000;
	s30 =	sadd.s32 $0x1000, s15  }
0x11b: {  	[hbm4b:s30+s2] =	stream.linear.scatter [tilespmem:s25], [sflag:$0xA], $0x400, $0x38;
	[tilespmem:$0x18100] =	vst v63  }
.Ltmp9:
0x11c: {  	_ = 	snop;
	(pc) =	sbr.rel @p0 .LBB2_14-.Ltmp9, $4  }
0x11d: {  	s17 =	sadd.s32 $0x2000, s15  }
0x11e: {  	[hbm4b:s17+s2] =	stream.linear.scatter [tilespmem:s26], [sflag:$0xA], $0x400, $0x38;
	[tilespmem:$0x18100] =	vst v63  }
0x11f: {  	s15 =	sadd.s32 $0x3000, s15  }
0x120: {  	[hbm4b:s15+s2] =	stream.linear.scatter [tilespmem:s29], [sflag:$0xA], $0x400, $0x38;
	[tilespmem:$0x18100] =	vst v63  }
.Ltmp10:
0x121: {  	(pc) =	sbr.rel .LBB2_4-.Ltmp10, $4  }
0x122: {  	_ = 	snop  }
0x123: {  	s15 =	simm.s32 $0x10100  }
0x124: {  	[tilespmem:s15], [sflag:$0x3] =	stream.indirect.gather [hbm4b:s3+s14], $0x20, s0, s14, $0xb8;
	[tilespmem:$0x18100] =	vst v63  }
0x125: {  	s1 =	sadd.s32 $0x14000, s1;
	s0 =	sadd.s32 $0x280, s0  }
.LBB2_15:
0x126: {  	_ =	sfence.sel $0x180000  }
0x127: {  	[bflag:$0x0] =	sbarrier.arrive $0xFFFF  }
0x128: {  	_ =	strace $0x90000047  }
0x129: {  	s0 =	stileid.u32;
	[bflag:$0x2] =	sbarrier.arrive $0xFFFF  }
0x12a: {  	p0 =	sne.s32 s0, $0x0;
	s0 =	rddreg [dreg:$0x2]  }
0x12b: {  	s0 =	sadd.s32 @!p0 $0x100000, s0  }
0x12c: {  	[sflag:s0] =	ssyncadd.tile.s32 @!p0 $0x1;
	_ =	shalt  }
.Lfunc_end2:
_tile_overlayer_lowered:
.L_overlay_start_2:
0x12d: {  	(tag) =	ssettag $0x2  }
0x12e: {  	s0 =	rddreg [dreg:$0x0];
	s2 =	stileid.u32  }
0x12f: {  	s1 =	rddreg [dreg:$0x1];
	p0 =	sne.s32 s2, $0x0  }
0x130: {  	s3 =	rddreg [dreg:$0x2];
	[bflag:$0x3] =	sbarrier.arrive $0xFFFF;
	s2 =	simm.s32 @!p0 $0x1C0B  }
0x131: {  	[timem:s3], [sflag:s2] =	dma.local @!p0 [hbm:s0], s1  }
0x132: {  	s0 =	simm.s32 @!p0 $0xB  }
0x133: {  	_ =	swait.ge @!p0 [sflag:s0], s1  }
0x134: {  	s1 =	ssub.s32 @!p0 $0x0, s1;
	[sflag:s0] =	ssyncset.done @!p0 $0x0  }
0x135: {  	[sflag:s0] =	ssyncadd.s32 @!p0 s1  }
0x136: {  	[bflag:$0x3] =	sbarrier.arrive $0xFFFF  }
0x137: {  	_ =	shalt  }

</sc_bundles>
